<compile_context>
chip_gen: v7x
topology: tpu7x:2x2x1
jax: 0.10.2.dev20260603
libtpu: 0.0.44.dev20260713+nightly
codegen_flags: <defaults>
</compile_context>

<pallas_src>
import jax
import jax.numpy as jnp
from jax import lax
from jax.experimental import pallas as pl
from jax.experimental.pallas import tpu as pltpu
from jax.experimental.pallas import tpu_sc as plsc

VOCAB = 1000000
EMBED = 32
HALF = EMBED // 2
B = 4
S = 4096

NUM_CORES = 2
NUM_SUBCORES = 16
NW = NUM_CORES * NUM_SUBCORES
S_CHUNK = S // NW
GROUP = 16
NGROUP = (S_CHUNK // GROUP) * B
LANES = 128


def _sc_body(x_hbm, table_hbm, cs_hbm, out_hbm,
             idx_v, blk_v, out_v, cs_v, sem):
    cid = lax.axis_index("c")
    sid = lax.axis_index("s")
    wid = sid * NUM_CORES + cid
    s0 = wid * S_CHUNK

    pltpu.sync_copy(x_hbm, idx_v)
    pltpu.sync_copy(cs_hbm.at[:, pl.ds(s0, S_CHUNK)], cs_v)

    c_lo = lax.iota(jnp.int32, 16)
    c_hi = c_lo + HALF

    def group_body(g, carry):
        b = g // (S_CHUNK // GROUP)
        jc = g % (S_CHUNK // GROUP)
        toks = idx_v[pl.ds((b * (S // LANES) + wid) * LANES + jc * GROUP, GROUP)]
        bases = lax.bitwise_and(toks, jnp.full((GROUP,), ~127, jnp.int32))
        lanes = lax.bitwise_and(toks, jnp.full((GROUP,), 127, jnp.int32))
        copies = []
        for t in range(GROUP):
            r0 = pl.multiple_of(bases[t], 128)
            copies.append(
                pltpu.async_copy(
                    table_hbm.at[:, pl.ds(r0, LANES)], blk_v.at[t], sem
                )
            )
        for cp in copies:
            cp.wait()
        for c in range(HALF):
            cv16 = jnp.full((16,), c, dtype=jnp.int32)
            x1 = plsc.load_gather(blk_v, [c_lo, cv16, lanes])
            x2 = plsc.load_gather(blk_v, [c_lo, cv16 + HALF, lanes])
            cv = cs_v[c, pl.ds(jc * GROUP, GROUP)]
            sv = cs_v[c + HALF, pl.ds(jc * GROUP, GROUP)]
            out_v[b, c, pl.ds(jc * GROUP, GROUP)] = x1 * cv - x2 * sv
            out_v[b, c + HALF, pl.ds(jc * GROUP, GROUP)] = x1 * sv + x2 * cv
        return carry

    lax.fori_loop(0, NGROUP, group_body, 0)

    for b in range(B):
        pltpu.sync_copy(
            out_v.at[b], out_hbm.at[b, :, pl.ds(s0, S_CHUNK)]
        )


@jax.jit
def kernel(x, token_embedding):
    xf = x.reshape(B * S)
    table_t = token_embedding.T

    theta = 1.0 / (10000.0 ** (jnp.arange(HALF, dtype=jnp.float32) / HALF))
    ang = jnp.arange(S, dtype=jnp.float32)[:, None] * theta[None, :]
    cs_tab = jnp.concatenate([jnp.cos(ang).T, jnp.sin(ang).T], axis=0)

    mesh = plsc.VectorSubcoreMesh(
        core_axis_name="c", subcore_axis_name="s",
        num_cores=NUM_CORES, num_subcores=NUM_SUBCORES,
    )
    run = pl.kernel(
        _sc_body,
        out_type=jax.ShapeDtypeStruct((B, EMBED, S), jnp.float32),
        mesh=mesh,
        scratch_types=[
            pltpu.VMEM((B * S,), jnp.int32),
            pltpu.VMEM((GROUP, EMBED, LANES), jnp.float32),
            pltpu.VMEM((B, EMBED, S_CHUNK), jnp.float32),
            pltpu.VMEM((EMBED, S_CHUNK), jnp.float32),
            pltpu.SemaphoreType.DMA,
        ],
        compiler_params=pltpu.CompilerParams(needs_layout_passes=False),
    )
    packed = run(xf, table_t, cs_tab)
    return jnp.transpose(packed, (2, 0, 1))

# --- scband reference (transcript-rebuilt; emitter-appended) ---
"""Pipeline reference for scband-transformer-input-14989435863054 (READ-ONLY COPY).

The authoritative reference and input builder live on the scoring server;
editing this copy changes nothing except your own understanding.
"""

import jax, jax.numpy as jnp
import numpy as np

VOCAB = 1000000
EMBED = 32
B = 4
S = 4096


def setup_inputs(seed: int = 0) -> dict:
    key = jax.random.key(seed)
    k1, k2 = jax.random.split(key)
    x = jax.random.randint(k1, (B, S), 0, VOCAB, dtype=jnp.int32)
    token_embedding = jax.random.normal(k2, (VOCAB, EMBED), dtype=jnp.float32)
    return {"x": x, "token_embedding": token_embedding}


def reference(x, token_embedding):
    # token embedding lookup (gather)
    emb = jnp.take(token_embedding, x, axis=0)  # [B, S, E]
    # rotary positional encoding, faithful to the torch module
    half = EMBED // 2
    theta = jnp.arange(half, dtype=jnp.float32) / half
    theta = 1.0 / (10000.0 ** theta)  # [half]
    theta = theta[None, None, :]      # [1, 1, half]
    position_ids = jnp.arange(S, dtype=jnp.float32)[:, None]  # [S, 1]
    position_ids = position_ids[None, :, :]                   # [1, S, 1]
    sin = jnp.sin(position_ids * theta)  # [1, S, half]
    cos = jnp.cos(position_ids * theta)  # [1, S, half]
    x1 = emb[..., :half]
    x2 = emb[..., half:]
    out = jnp.concatenate([x1 * cos - x2 * sin, x1 * sin + x2 * cos], axis=-1)  # [B, S, E]
    # permute(1, 0, 2)
    return jnp.transpose(out, (1, 0, 2))  # [S, B, E]

if __name__ == "__main__":
    import jax
    _d = setup_inputs()
    print(jax.jit(kernel)(*tuple(_d.values())))

</pallas_src>

<mosaic_0001>
#map = affine_map<(d0, d1) -> (0)>
#map1 = affine_map<(d0, d1) -> (0, 0)>
#map2 = affine_map<(d0, d1) -> (0, 0, 0)>
module attributes {stable_mosaic.version = 14 : i64} {
  func.func @_sc_body(%arg0: i32, %arg1: i32, %arg2: memref<16384xi32, #tpu.memory_space<hbm>>, %arg3: memref<32x1000000xf32, #tpu.memory_space<hbm>>, %arg4: memref<32x4096xf32, #tpu.memory_space<hbm>>, %arg5: memref<4x32x4096xf32, #tpu.memory_space<hbm>>, %arg6: memref<16384xi32, #tpu.memory_space<vmem>>, %arg7: memref<16x32x128xf32, #tpu.memory_space<vmem>>, %arg8: memref<4x32x128xf32, #tpu.memory_space<vmem>>, %arg9: memref<32x128xf32, #tpu.memory_space<vmem>>, %arg10: memref<!tpu.dma_semaphore, #tpu.memory_space<semaphore_mem>>) attributes {dimension_semantics = [#tpu.dimension_semantics<core_parallel>, #tpu.dimension_semantics<subcore_parallel>], iteration_bounds = array<i64: 2, 16>, scalar_prefetch = 0 : i64, scratch_operands = 5 : i64, tpu.core_type = #tpu.core_type<sc_vector_subcore>, window_params = [{transform_indices = #map}, {transform_indices = #map1}, {transform_indices = #map1}, {transform_indices = #map2}]} {
    %mul3A = arith.constant 2 : i32
    %mul3A_0 = arith.muli %arg1, %mul3A : i32
    %add3A = arith.addi %mul3A_0, %arg0 : i32
    %mul3A_1 = arith.constant 128 : i32
    %mul3A_2 = arith.muli %add3A, %mul3A_1 : i32
    "tpu.region"() ({
      %run_scoped3A_18 = tpu.sem_alloc : memref<!tpu.dma_semaphore, #tpu.memory_space<semaphore_mem>>
      tpu.enqueue_dma source(%arg2 : memref<16384xi32, #tpu.memory_space<hbm>>) target(%arg6 : memref<16384xi32, #tpu.memory_space<vmem>>) target_semaphore(%run_scoped3A_18 : memref<!tpu.dma_semaphore, #tpu.memory_space<semaphore_mem>>)
      tpu.wait_dma2 semaphore(%run_scoped3A_18 : memref<!tpu.dma_semaphore, #tpu.memory_space<semaphore_mem>>) src(%arg2 : memref<16384xi32, #tpu.memory_space<hbm>>) dst(%arg6 : memref<16384xi32, #tpu.memory_space<vmem>>)
      tpu.yield
    }) : () -> ()
    "tpu.region"() ({
      %run_scoped3A_18 = tpu.sem_alloc : memref<!tpu.dma_semaphore, #tpu.memory_space<semaphore_mem>>
      %dma_start3A = arith.constant 0 : i32
      %dma_start3A_19 = tpu.memref_slice %arg4[%dma_start3A, %mul3A_2] : memref<32x4096xf32, #tpu.memory_space<hbm>> -> memref<32x128xf32, #tpu.memory_space<hbm>>
      %dma_start3A_20 = arith.constant 0 : i32
      %dma_start3A_21 = tpu.memref_slice %arg4[%dma_start3A_20, %mul3A_2] : memref<32x4096xf32, #tpu.memory_space<hbm>> -> memref<32x128xf32, #tpu.memory_space<hbm>>
      tpu.enqueue_dma source(%dma_start3A_21 : memref<32x128xf32, #tpu.memory_space<hbm>>) target(%arg9 : memref<32x128xf32, #tpu.memory_space<vmem>>) target_semaphore(%run_scoped3A_18 : memref<!tpu.dma_semaphore, #tpu.memory_space<semaphore_mem>>)
      %dma_wait3A = arith.constant 0 : i32
      %dma_wait3A_22 = tpu.memref_slice %arg4[%dma_wait3A, %mul3A_2] : memref<32x4096xf32, #tpu.memory_space<hbm>> -> memref<32x128xf32, #tpu.memory_space<hbm>>
      %dma_wait3A_23 = arith.constant 0 : i32
      %dma_wait3A_24 = tpu.memref_slice %arg4[%dma_wait3A_23, %mul3A_2] : memref<32x4096xf32, #tpu.memory_space<hbm>> -> memref<32x128xf32, #tpu.memory_space<hbm>>
      tpu.wait_dma2 semaphore(%run_scoped3A_18 : memref<!tpu.dma_semaphore, #tpu.memory_space<semaphore_mem>>) src(%dma_wait3A_24 : memref<32x128xf32, #tpu.memory_space<hbm>>) dst(%arg9 : memref<32x128xf32, #tpu.memory_space<vmem>>)
      tpu.yield
    }) : () -> ()
    %iota3A = tpu.iota {dimensions = array<i32: 0>} : vector<16xi32>
    %add3A_3 = arith.constant 16 : i32
    %add3A_4 = vector.broadcast %add3A_3 : i32 to vector<16xi32>
    %add3A_5 = arith.addi %iota3A, %add3A_4 : vector<16xi32>
    %scan3A = arith.constant 0 : i32
    %scan3A_6 = arith.constant 0 : i32
    %scan3A_7 = arith.constant 32 : i32
    %scan3A_8 = arith.addi %scan3A_6, %scan3A_7 : i32
    %scan3A_9 = arith.constant 1 : i32
    scf.for %scan3A_18 = %scan3A_6 to %scan3A_8 step %scan3A_9  : i32 {
      %jit3A = arith.constant 8 : i32
      %div3A = arith.divsi %scan3A_18, %jit3A : i32
      %sign3A = arith.constant 0 : i32
      %sign3A_19 = arith.cmpi sgt, %scan3A_18, %sign3A : i32
      %sign3A_20 = arith.extui %sign3A_19 : i1 to i32
      %sign3A_21 = arith.constant 0 : i32
      %sign3A_22 = arith.cmpi slt, %scan3A_18, %sign3A_21 : i32
      %sign3A_23 = arith.extui %sign3A_22 : i1 to i32
      %sign3A_24 = arith.subi %sign3A_20, %sign3A_23 : i32
      %sign3A_25 = arith.constant 0 : i32
      %sign3A_26 = arith.cmpi sgt, %jit3A, %sign3A_25 : i32
      %sign3A_27 = arith.extui %sign3A_26 : i1 to i32
      %sign3A_28 = arith.constant 0 : i32
      %sign3A_29 = arith.cmpi slt, %jit3A, %sign3A_28 : i32
      %sign3A_30 = arith.extui %sign3A_29 : i1 to i32
      %sign3A_31 = arith.subi %sign3A_27, %sign3A_30 : i32
      %ne3A = arith.cmpi ne, %sign3A_24, %sign3A_31 : i32
      %rem3A = arith.remsi %scan3A_18, %jit3A : i32
      %ne3A_32 = arith.constant 0 : i32
      %ne3A_33 = arith.cmpi ne, %rem3A, %ne3A_32 : i32
      %and3A = arith.andi %ne3A, %ne3A_33 : i1
      %sub3A = arith.constant 1 : i32
      %sub3A_34 = arith.subi %div3A, %sub3A : i32
      %select_n3A = arith.select %and3A, %sub3A_34, %div3A : i32
      %jit3A_35 = arith.constant 8 : i32
      %eq3A = arith.constant 0 : i32
      %eq3A_36 = arith.cmpi eq, %jit3A_35, %eq3A : i32
      %jit3A_37 = arith.constant 1 : i32
      %select_n3A_38 = arith.select %eq3A_36, %jit3A_37, %jit3A_35 : i32
      %rem3A_39 = arith.remsi %scan3A_18, %select_n3A_38 : i32
      %ne3A_40 = arith.constant 0 : i32
      %ne3A_41 = arith.cmpi ne, %rem3A_39, %ne3A_40 : i32
      %lt3A = arith.constant 0 : i32
      %lt3A_42 = arith.cmpi slt, %rem3A_39, %lt3A : i32
      %lt3A_43 = arith.constant 0 : i32
      %lt3A_44 = arith.cmpi slt, %select_n3A_38, %lt3A_43 : i32
      %ne3A_45 = arith.xori %lt3A_42, %lt3A_44 : i1
      %and3A_46 = arith.andi %ne3A_45, %ne3A_41 : i1
      %add3A_47 = arith.addi %rem3A_39, %select_n3A_38 : i32
      %select_n3A_48 = arith.select %and3A_46, %add3A_47, %rem3A_39 : i32
      %mul3A_49 = arith.constant 32 : i32
      %mul3A_50 = arith.muli %select_n3A, %mul3A_49 : i32
      %add3A_51 = arith.addi %mul3A_50, %add3A : i32
      %mul3A_52 = arith.constant 128 : i32
      %mul3A_53 = arith.muli %add3A_51, %mul3A_52 : i32
      %mul3A_54 = arith.constant 16 : i32
      %mul3A_55 = arith.muli %select_n3A_48, %mul3A_54 : i32
      %add3A_56 = arith.addi %mul3A_53, %mul3A_55 : i32
      %get3A = arith.index_cast %add3A_56 : i32 to index
      %get3A_57 = tpu.vector_load %arg6[%get3A] {strides = array<i32>} : memref<16384xi32, #tpu.memory_space<vmem>>, vector<16xi32>,
      %broadcast_in_dim3A = arith.constant -128 : i32
      %broadcast_in_dim3A_58 = vector.broadcast %broadcast_in_dim3A : i32 to vector<16xi32>
      %and3A_59 = arith.andi %get3A_57, %broadcast_in_dim3A_58 : vector<16xi32>
      %broadcast_in_dim3A_60 = arith.constant 127 : i32
      %broadcast_in_dim3A_61 = vector.broadcast %broadcast_in_dim3A_60 : i32 to vector<16xi32>
      %and3A_62 = arith.andi %get3A_57, %broadcast_in_dim3A_61 : vector<16xi32>
      %slice3A = vector.extract_strided_slice %and3A_59 {offsets = [0], sizes = [1], strides = [1]} : vector<16xi32> to vector<1xi32>
      %squeeze3A = vector.extract %slice3A[0] : i32 from vector<1xi32>
      %multiple_of3A = tpu.assume_multiple %squeeze3A, 128 : i32
      %dma_start3A = arith.constant 0 : i32
      %dma_start3A_63 = arith.constant 0 : i32
      %dma_start3A_64 = arith.constant 0 : i32
      %dma_start3A_65 = tpu.memref_slice %arg7[%dma_start3A, %dma_start3A_63, %dma_start3A_64] : memref<16x32x128xf32, #tpu.memory_space<vmem>> -> memref<1x32x128xf32, #tpu.memory_space<vmem>>
      %dma_start3A_66 = tpu.memref_squeeze %dma_start3A_65 : memref<1x32x128xf32, #tpu.memory_space<vmem>> -> memref<32x128xf32, #tpu.memory_space<vmem>>
      %dma_start3A_67 = arith.constant 0 : i32
      %dma_start3A_68 = tpu.memref_slice %arg3[%dma_start3A_67, %multiple_of3A] : memref<32x1000000xf32, #tpu.memory_space<hbm>> -> memref<32x128xf32, #tpu.memory_space<hbm>>
      %dma_start3A_69 = arith.constant 0 : i32
      %dma_start3A_70 = arith.constant 0 : i32
      %dma_start3A_71 = tpu.memref_slice %arg7[%dma_start3A, %dma_start3A_69, %dma_start3A_70] : memref<16x32x128xf32, #tpu.memory_space<vmem>> -> memref<1x32x128xf32, #tpu.memory_space<vmem>>
      %dma_start3A_72 = tpu.memref_squeeze %dma_start3A_71 : memref<1x32x128xf32, #tpu.memory_space<vmem>> -> memref<32x128xf32, #tpu.memory_space<vmem>>
      %dma_start3A_73 = arith.constant 0 : i32
      %dma_start3A_74 = tpu.memref_slice %arg3[%dma_start3A_73, %multiple_of3A] : memref<32x1000000xf32, #tpu.memory_space<hbm>> -> memref<32x128xf32, #tpu.memory_space<hbm>>
      tpu.enqueue_dma source(%dma_start3A_74 : memref<32x128xf32, #tpu.memory_space<hbm>>) target(%dma_start3A_72 : memref<32x128xf32, #tpu.memory_space<vmem>>) target_semaphore(%arg10 : memref<!tpu.dma_semaphore, #tpu.memory_space<semaphore_mem>>)
      %slice3A_75 = vector.extract_strided_slice %and3A_59 {offsets = [1], sizes = [1], strides = [1]} : vector<16xi32> to vector<1xi32>
      %squeeze3A_76 = vector.extract %slice3A_75[0] : i32 from vector<1xi32>
      %multiple_of3A_77 = tpu.assume_multiple %squeeze3A_76, 128 : i32
      %dma_start3A_78 = arith.constant 1 : i32
      %dma_start3A_79 = arith.constant 0 : i32
      %dma_start3A_80 = arith.constant 0 : i32
      %dma_start3A_81 = tpu.memref_slice %arg7[%dma_start3A_78, %dma_start3A_79, %dma_start3A_80] : memref<16x32x128xf32, #tpu.memory_space<vmem>> -> memref<1x32x128xf32, #tpu.memory_space<vmem>>
      %dma_start3A_82 = tpu.memref_squeeze %dma_start3A_81 : memref<1x32x128xf32, #tpu.memory_space<vmem>> -> memref<32x128xf32, #tpu.memory_space<vmem>>
      %dma_start3A_83 = arith.constant 0 : i32
      %dma_start3A_84 = tpu.memref_slice %arg3[%dma_start3A_83, %multiple_of3A_77] : memref<32x1000000xf32, #tpu.memory_space<hbm>> -> memref<32x128xf32, #tpu.memory_space<hbm>>
      %dma_start3A_85 = arith.constant 0 : i32
      %dma_start3A_86 = arith.constant 0 : i32
      %dma_start3A_87 = tpu.memref_slice %arg7[%dma_start3A_78, %dma_start3A_85, %dma_start3A_86] : memref<16x32x128xf32, #tpu.memory_space<vmem>> -> memref<1x32x128xf32, #tpu.memory_space<vmem>>
      %dma_start3A_88 = tpu.memref_squeeze %dma_start3A_87 : memref<1x32x128xf32, #tpu.memory_space<vmem>> -> memref<32x128xf32, #tpu.memory_space<vmem>>
      %dma_start3A_89 = arith.constant 0 : i32
      %dma_start3A_90 = tpu.memref_slice %arg3[%dma_start3A_89, %multiple_of3A_77] : memref<32x1000000xf32, #tpu.memory_space<hbm>> -> memref<32x128xf32, #tpu.memory_space<hbm>>
      tpu.enqueue_dma source(%dma_start3A_90 : memref<32x128xf32, #tpu.memory_space<hbm>>) target(%dma_start3A_88 : memref<32x128xf32, #tpu.memory_space<vmem>>) target_semaphore(%arg10 : memref<!tpu.dma_semaphore, #tpu.memory_space<semaphore_mem>>)
      %slice3A_91 = vector.extract_strided_slice %and3A_59 {offsets = [2], sizes = [1], strides = [1]} : vector<16xi32> to vector<1xi32>
      %squeeze3A_92 = vector.extract %slice3A_91[0] : i32 from vector<1xi32>
      %multiple_of3A_93 = tpu.assume_multiple %squeeze3A_92, 128 : i32
      %dma_start3A_94 = arith.constant 2 : i32
      %dma_start3A_95 = arith.constant 0 : i32
      %dma_start3A_96 = arith.constant 0 : i32
      %dma_start3A_97 = tpu.memref_slice %arg7[%dma_start3A_94, %dma_start3A_95, %dma_start3A_96] : memref<16x32x128xf32, #tpu.memory_space<vmem>> -> memref<1x32x128xf32, #tpu.memory_space<vmem>>
      %dma_start3A_98 = tpu.memref_squeeze %dma_start3A_97 : memref<1x32x128xf32, #tpu.memory_space<vmem>> -> memref<32x128xf32, #tpu.memory_space<vmem>>
      %dma_start3A_99 = arith.constant 0 : i32
      %dma_start3A_100 = tpu.memref_slice %arg3[%dma_start3A_99, %multiple_of3A_93] : memref<32x1000000xf32, #tpu.memory_space<hbm>> -> memref<32x128xf32, #tpu.memory_space<hbm>>
      %dma_start3A_101 = arith.constant 0 : i32
      %dma_start3A_102 = arith.constant 0 : i32
      %dma_start3A_103 = tpu.memref_slice %arg7[%dma_start3A_94, %dma_start3A_101, %dma_start3A_102] : memref<16x32x128xf32, #tpu.memory_space<vmem>> -> memref<1x32x128xf32, #tpu.memory_space<vmem>>
      %dma_start3A_104 = tpu.memref_squeeze %dma_start3A_103 : memref<1x32x128xf32, #tpu.memory_space<vmem>> -> memref<32x128xf32, #tpu.memory_space<vmem>>
      %dma_start3A_105 = arith.constant 0 : i32
      %dma_start3A_106 = tpu.memref_slice %arg3[%dma_start3A_105, %multiple_of3A_93] : memref<32x1000000xf32, #tpu.memory_space<hbm>> -> memref<32x128xf32, #tpu.memory_space<hbm>>
      tpu.enqueue_dma source(%dma_start3A_106 : memref<32x128xf32, #tpu.memory_space<hbm>>) target(%dma_start3A_104 : memref<32x128xf32, #tpu.memory_space<vmem>>) target_semaphore(%arg10 : memref<!tpu.dma_semaphore, #tpu.memory_space<semaphore_mem>>)
      %slice3A_107 = vector.extract_strided_slice %and3A_59 {offsets = [3], sizes = [1], strides = [1]} : vector<16xi32> to vector<1xi32>
      %squeeze3A_108 = vector.extract %slice3A_107[0] : i32 from vector<1xi32>
      %multiple_of3A_109 = tpu.assume_multiple %squeeze3A_108, 128 : i32
      %dma_start3A_110 = arith.constant 3 : i32
      %dma_start3A_111 = arith.constant 0 : i32
      %dma_start3A_112 = arith.constant 0 : i32
      %dma_start3A_113 = tpu.memref_slice %arg7[%dma_start3A_110, %dma_start3A_111, %dma_start3A_112] : memref<16x32x128xf32, #tpu.memory_space<vmem>> -> memref<1x32x128xf32, #tpu.memory_space<vmem>>
      %dma_start3A_114 = tpu.memref_squeeze %dma_start3A_113 : memref<1x32x128xf32, #tpu.memory_space<vmem>> -> memref<32x128xf32, #tpu.memory_space<vmem>>
      %dma_start3A_115 = arith.constant 0 : i32
      %dma_start3A_116 = tpu.memref_slice %arg3[%dma_start3A_115, %multiple_of3A_109] : memref<32x1000000xf32, #tpu.memory_space<hbm>> -> memref<32x128xf32, #tpu.memory_space<hbm>>
      %dma_start3A_117 = arith.constant 0 : i32
      %dma_start3A_118 = arith.constant 0 : i32
      %dma_start3A_119 = tpu.memref_slice %arg7[%dma_start3A_110, %dma_start3A_117, %dma_start3A_118] : memref<16x32x128xf32, #tpu.memory_space<vmem>> -> memref<1x32x128xf32, #tpu.memory_space<vmem>>
      %dma_start3A_120 = tpu.memref_squeeze %dma_start3A_119 : memref<1x32x128xf32, #tpu.memory_space<vmem>> -> memref<32x128xf32, #tpu.memory_space<vmem>>
      %dma_start3A_121 = arith.constant 0 : i32
      %dma_start3A_122 = tpu.memref_slice %arg3[%dma_start3A_121, %multiple_of3A_109] : memref<32x1000000xf32, #tpu.memory_space<hbm>> -> memref<32x128xf32, #tpu.memory_space<hbm>>
      tpu.enqueue_dma source(%dma_start3A_122 : memref<32x128xf32, #tpu.memory_space<hbm>>) target(%dma_start3A_120 : memref<32x128xf32, #tpu.memory_space<vmem>>) target_semaphore(%arg10 : memref<!tpu.dma_semaphore, #tpu.memory_space<semaphore_mem>>)
      %slice3A_123 = vector.extract_strided_slice %and3A_59 {offsets = [4], sizes = [1], strides = [1]} : vector<16xi32> to vector<1xi32>
      %squeeze3A_124 = vector.extract %slice3A_123[0] : i32 from vector<1xi32>
      %multiple_of3A_125 = tpu.assume_multiple %squeeze3A_124, 128 : i32
      %dma_start3A_126 = arith.constant 4 : i32
      %dma_start3A_127 = arith.constant 0 : i32
      %dma_start3A_128 = arith.constant 0 : i32
      %dma_start3A_129 = tpu.memref_slice %arg7[%dma_start3A_126, %dma_start3A_127, %dma_start3A_128] : memref<16x32x128xf32, #tpu.memory_space<vmem>> -> memref<1x32x128xf32, #tpu.memory_space<vmem>>
      %dma_start3A_130 = tpu.memref_squeeze %dma_start3A_129 : memref<1x32x128xf32, #tpu.memory_space<vmem>> -> memref<32x128xf32, #tpu.memory_space<vmem>>
      %dma_start3A_131 = arith.constant 0 : i32
      %dma_start3A_132 = tpu.memref_slice %arg3[%dma_start3A_131, %multiple_of3A_125] : memref<32x1000000xf32, #tpu.memory_space<hbm>> -> memref<32x128xf32, #tpu.memory_space<hbm>>
      %dma_start3A_133 = arith.constant 0 : i32
      %dma_start3A_134 = arith.constant 0 : i32
      %dma_start3A_135 = tpu.memref_slice %arg7[%dma_start3A_126, %dma_start3A_133, %dma_start3A_134] : memref<16x32x128xf32, #tpu.memory_space<vmem>> -> memref<1x32x128xf32, #tpu.memory_space<vmem>>
      %dma_start3A_136 = tpu.memref_squeeze %dma_start3A_135 : memref<1x32x128xf32, #tpu.memory_space<vmem>> -> memref<32x128xf32, #tpu.memory_space<vmem>>
      %dma_start3A_137 = arith.constant 0 : i32
      %dma_start3A_138 = tpu.memref_slice %arg3[%dma_start3A_137, %multiple_of3A_125] : memref<32x1000000xf32, #tpu.memory_space<hbm>> -> memref<32x128xf32, #tpu.memory_space<hbm>>
      tpu.enqueue_dma source(%dma_start3A_138 : memref<32x128xf32, #tpu.memory_space<hbm>>) target(%dma_start3A_136 : memref<32x128xf32, #tpu.memory_space<vmem>>) target_semaphore(%arg10 : memref<!tpu.dma_semaphore, #tpu.memory_space<semaphore_mem>>)
      %slice3A_139 = vector.extract_strided_slice %and3A_59 {offsets = [5], sizes = [1], strides = [1]} : vector<16xi32> to vector<1xi32>
      %squeeze3A_140 = vector.extract %slice3A_139[0] : i32 from vector<1xi32>
      %multiple_of3A_141 = tpu.assume_multiple %squeeze3A_140, 128 : i32
      %dma_start3A_142 = arith.constant 5 : i32
      %dma_start3A_143 = arith.constant 0 : i32
      %dma_start3A_144 = arith.constant 0 : i32
      %dma_start3A_145 = tpu.memref_slice %arg7[%dma_start3A_142, %dma_start3A_143, %dma_start3A_144] : memref<16x32x128xf32, #tpu.memory_space<vmem>> -> memref<1x32x128xf32, #tpu.memory_space<vmem>>
      %dma_start3A_146 = tpu.memref_squeeze %dma_start3A_145 : memref<1x32x128xf32, #tpu.memory_space<vmem>> -> memref<32x128xf32, #tpu.memory_space<vmem>>
      %dma_start3A_147 = arith.constant 0 : i32
      %dma_start3A_148 = tpu.memref_slice %arg3[%dma_start3A_147, %multiple_of3A_141] : memref<32x1000000xf32, #tpu.memory_space<hbm>> -> memref<32x128xf32, #tpu.memory_space<hbm>>
      %dma_start3A_149 = arith.constant 0 : i32
      %dma_start3A_150 = arith.constant 0 : i32
      %dma_start3A_151 = tpu.memref_slice %arg7[%dma_start3A_142, %dma_start3A_149, %dma_start3A_150] : memref<16x32x128xf32, #tpu.memory_space<vmem>> -> memref<1x32x128xf32, #tpu.memory_space<vmem>>
      %dma_start3A_152 = tpu.memref_squeeze %dma_start3A_151 : memref<1x32x128xf32, #tpu.memory_space<vmem>> -> memref<32x128xf32, #tpu.memory_space<vmem>>
      %dma_start3A_153 = arith.constant 0 : i32
      %dma_start3A_154 = tpu.memref_slice %arg3[%dma_start3A_153, %multiple_of3A_141] : memref<32x1000000xf32, #tpu.memory_space<hbm>> -> memref<32x128xf32, #tpu.memory_space<hbm>>
      tpu.enqueue_dma source(%dma_start3A_154 : memref<32x128xf32, #tpu.memory_space<hbm>>) target(%dma_start3A_152 : memref<32x128xf32, #tpu.memory_space<vmem>>) target_semaphore(%arg10 : memref<!tpu.dma_semaphore, #tpu.memory_space<semaphore_mem>>)
      %slice3A_155 = vector.extract_strided_slice %and3A_59 {offsets = [6], sizes = [1], strides = [1]} : vector<16xi32> to vector<1xi32>
      %squeeze3A_156 = vector.extract %slice3A_155[0] : i32 from vector<1xi32>
      %multiple_of3A_157 = tpu.assume_multiple %squeeze3A_156, 128 : i32
      %dma_start3A_158 = arith.constant 6 : i32
      %dma_start3A_159 = arith.constant 0 : i32
      %dma_start3A_160 = arith.constant 0 : i32
      %dma_start3A_161 = tpu.memref_slice %arg7[%dma_start3A_158, %dma_start3A_159, %dma_start3A_160] : memref<16x32x128xf32, #tpu.memory_space<vmem>> -> memref<1x32x128xf32, #tpu.memory_space<vmem>>
      %dma_start3A_162 = tpu.memref_squeeze %dma_start3A_161 : memref<1x32x128xf32, #tpu.memory_space<vmem>> -> memref<32x128xf32, #tpu.memory_space<vmem>>
      %dma_start3A_163 = arith.constant 0 : i32
      %dma_start3A_164 = tpu.memref_slice %arg3[%dma_start3A_163, %multiple_of3A_157] : memref<32x1000000xf32, #tpu.memory_space<hbm>> -> memref<32x128xf32, #tpu.memory_space<hbm>>
      %dma_start3A_165 = arith.constant 0 : i32
      %dma_start3A_166 = arith.constant 0 : i32
      %dma_start3A_167 = tpu.memref_slice %arg7[%dma_start3A_158, %dma_start3A_165, %dma_start3A_166] : memref<16x32x128xf32, #tpu.memory_space<vmem>> -> memref<1x32x128xf32, #tpu.memory_space<vmem>>
      %dma_start3A_168 = tpu.memref_squeeze %dma_start3A_167 : memref<1x32x128xf32, #tpu.memory_space<vmem>> -> memref<32x128xf32, #tpu.memory_space<vmem>>
      %dma_start3A_169 = arith.constant 0 : i32
      %dma_start3A_170 = tpu.memref_slice %arg3[%dma_start3A_169, %multiple_of3A_157] : memref<32x1000000xf32, #tpu.memory_space<hbm>> -> memref<32x128xf32, #tpu.memory_space<hbm>>
      tpu.enqueue_dma source(%dma_start3A_170 : memref<32x128xf32, #tpu.memory_space<hbm>>) target(%dma_start3A_168 : memref<32x128xf32, #tpu.memory_space<vmem>>) target_semaphore(%arg10 : memref<!tpu.dma_semaphore, #tpu.memory_space<semaphore_mem>>)
      %slice3A_171 = vector.extract_strided_slice %and3A_59 {offsets = [7], sizes = [1], strides = [1]} : vector<16xi32> to vector<1xi32>
      %squeeze3A_172 = vector.extract %slice3A_171[0] : i32 from vector<1xi32>
      %multiple_of3A_173 = tpu.assume_multiple %squeeze3A_172, 128 : i32
      %dma_start3A_174 = arith.constant 7 : i32
      %dma_start3A_175 = arith.constant 0 : i32
      %dma_start3A_176 = arith.constant 0 : i32
      %dma_start3A_177 = tpu.memref_slice %arg7[%dma_start3A_174, %dma_start3A_175, %dma_start3A_176] : memref<16x32x128xf32, #tpu.memory_space<vmem>> -> memref<1x32x128xf32, #tpu.memory_space<vmem>>
      %dma_start3A_178 = tpu.memref_squeeze %dma_start3A_177 : memref<1x32x128xf32, #tpu.memory_space<vmem>> -> memref<32x128xf32, #tpu.memory_space<vmem>>
      %dma_start3A_179 = arith.constant 0 : i32
      %dma_start3A_180 = tpu.memref_slice %arg3[%dma_start3A_179, %multiple_of3A_173] : memref<32x1000000xf32, #tpu.memory_space<hbm>> -> memref<32x128xf32, #tpu.memory_space<hbm>>
      %dma_start3A_181 = arith.constant 0 : i32
      %dma_start3A_182 = arith.constant 0 : i32
      %dma_start3A_183 = tpu.memref_slice %arg7[%dma_start3A_174, %dma_start3A_181, %dma_start3A_182] : memref<16x32x128xf32, #tpu.memory_space<vmem>> -> memref<1x32x128xf32, #tpu.memory_space<vmem>>
      %dma_start3A_184 = tpu.memref_squeeze %dma_start3A_183 : memref<1x32x128xf32, #tpu.memory_space<vmem>> -> memref<32x128xf32, #tpu.memory_space<vmem>>
      %dma_start3A_185 = arith.constant 0 : i32
      %dma_start3A_186 = tpu.memref_slice %arg3[%dma_start3A_185, %multiple_of3A_173] : memref<32x1000000xf32, #tpu.memory_space<hbm>> -> memref<32x128xf32, #tpu.memory_space<hbm>>
      tpu.enqueue_dma source(%dma_start3A_186 : memref<32x128xf32, #tpu.memory_space<hbm>>) target(%dma_start3A_184 : memref<32x128xf32, #tpu.memory_space<vmem>>) target_semaphore(%arg10 : memref<!tpu.dma_semaphore, #tpu.memory_space<semaphore_mem>>)
      %slice3A_187 = vector.extract_strided_slice %and3A_59 {offsets = [8], sizes = [1], strides = [1]} : vector<16xi32> to vector<1xi32>
      %squeeze3A_188 = vector.extract %slice3A_187[0] : i32 from vector<1xi32>
      %multiple_of3A_189 = tpu.assume_multiple %squeeze3A_188, 128 : i32
      %dma_start3A_190 = arith.constant 8 : i32
      %dma_start3A_191 = arith.constant 0 : i32
      %dma_start3A_192 = arith.constant 0 : i32
      %dma_start3A_193 = tpu.memref_slice %arg7[%dma_start3A_190, %dma_start3A_191, %dma_start3A_192] : memref<16x32x128xf32, #tpu.memory_space<vmem>> -> memref<1x32x128xf32, #tpu.memory_space<vmem>>
      %dma_start3A_194 = tpu.memref_squeeze %dma_start3A_193 : memref<1x32x128xf32, #tpu.memory_space<vmem>> -> memref<32x128xf32, #tpu.memory_space<vmem>>
      %dma_start3A_195 = arith.constant 0 : i32
      %dma_start3A_196 = tpu.memref_slice %arg3[%dma_start3A_195, %multiple_of3A_189] : memref<32x1000000xf32, #tpu.memory_space<hbm>> -> memref<32x128xf32, #tpu.memory_space<hbm>>
      %dma_start3A_197 = arith.constant 0 : i32
      %dma_start3A_198 = arith.constant 0 : i32
      %dma_start3A_199 = tpu.memref_slice %arg7[%dma_start3A_190, %dma_start3A_197, %dma_start3A_198] : memref<16x32x128xf32, #tpu.memory_space<vmem>> -> memref<1x32x128xf32, #tpu.memory_space<vmem>>
      %dma_start3A_200 = tpu.memref_squeeze %dma_start3A_199 : memref<1x32x128xf32, #tpu.memory_space<vmem>> -> memref<32x128xf32, #tpu.memory_space<vmem>>
      %dma_start3A_201 = arith.constant 0 : i32
      %dma_start3A_202 = tpu.memref_slice %arg3[%dma_start3A_201, %multiple_of3A_189] : memref<32x1000000xf32, #tpu.memory_space<hbm>> -> memref<32x128xf32, #tpu.memory_space<hbm>>
      tpu.enqueue_dma source(%dma_start3A_202 : memref<32x128xf32, #tpu.memory_space<hbm>>) target(%dma_start3A_200 : memref<32x128xf32, #tpu.memory_space<vmem>>) target_semaphore(%arg10 : memref<!tpu.dma_semaphore, #tpu.memory_space<semaphore_mem>>)
      %slice3A_203 = vector.extract_strided_slice %and3A_59 {offsets = [9], sizes = [1], strides = [1]} : vector<16xi32> to vector<1xi32>
      %squeeze3A_204 = vector.extract %slice3A_203[0] : i32 from vector<1xi32>
      %multiple_of3A_205 = tpu.assume_multiple %squeeze3A_204, 128 : i32
      %dma_start3A_206 = arith.constant 9 : i32
      %dma_start3A_207 = arith.constant 0 : i32
      %dma_start3A_208 = arith.constant 0 : i32
      %dma_start3A_209 = tpu.memref_slice %arg7[%dma_start3A_206, %dma_start3A_207, %dma_start3A_208] : memref<16x32x128xf32, #tpu.memory_space<vmem>> -> memref<1x32x128xf32, #tpu.memory_space<vmem>>
      %dma_start3A_210 = tpu.memref_squeeze %dma_start3A_209 : memref<1x32x128xf32, #tpu.memory_space<vmem>> -> memref<32x128xf32, #tpu.memory_space<vmem>>
      %dma_start3A_211 = arith.constant 0 : i32
      %dma_start3A_212 = tpu.memref_slice %arg3[%dma_start3A_211, %multiple_of3A_205] : memref<32x1000000xf32, #tpu.memory_space<hbm>> -> memref<32x128xf32, #tpu.memory_space<hbm>>
      %dma_start3A_213 = arith.constant 0 : i32
      %dma_start3A_214 = arith.constant 0 : i32
      %dma_start3A_215 = tpu.memref_slice %arg7[%dma_start3A_206, %dma_start3A_213, %dma_start3A_214] : memref<16x32x128xf32, #tpu.memory_space<vmem>> -> memref<1x32x128xf32, #tpu.memory_space<vmem>>
      %dma_start3A_216 = tpu.memref_squeeze %dma_start3A_215 : memref<1x32x128xf32, #tpu.memory_space<vmem>> -> memref<32x128xf32, #tpu.memory_space<vmem>>
      %dma_start3A_217 = arith.constant 0 : i32
      %dma_start3A_218 = tpu.memref_slice %arg3[%dma_start3A_217, %multiple_of3A_205] : memref<32x1000000xf32, #tpu.memory_space<hbm>> -> memref<32x128xf32, #tpu.memory_space<hbm>>
      tpu.enqueue_dma source(%dma_start3A_218 : memref<32x128xf32, #tpu.memory_space<hbm>>) target(%dma_start3A_216 : memref<32x128xf32, #tpu.memory_space<vmem>>) target_semaphore(%arg10 : memref<!tpu.dma_semaphore, #tpu.memory_space<semaphore_mem>>)
      %slice3A_219 = vector.extract_strided_slice %and3A_59 {offsets = [10], sizes = [1], strides = [1]} : vector<16xi32> to vector<1xi32>
      %squeeze3A_220 = vector.extract %slice3A_219[0] : i32 from vector<1xi32>
      %multiple_of3A_221 = tpu.assume_multiple %squeeze3A_220, 128 : i32
      %dma_start3A_222 = arith.constant 10 : i32
      %dma_start3A_223 = arith.constant 0 : i32
      %dma_start3A_224 = arith.constant 0 : i32
      %dma_start3A_225 = tpu.memref_slice %arg7[%dma_start3A_222, %dma_start3A_223, %dma_start3A_224] : memref<16x32x128xf32, #tpu.memory_space<vmem>> -> memref<1x32x128xf32, #tpu.memory_space<vmem>>
      %dma_start3A_226 = tpu.memref_squeeze %dma_start3A_225 : memref<1x32x128xf32, #tpu.memory_space<vmem>> -> memref<32x128xf32, #tpu.memory_space<vmem>>
      %dma_start3A_227 = arith.constant 0 : i32
      %dma_start3A_228 = tpu.memref_slice %arg3[%dma_start3A_227, %multiple_of3A_221] : memref<32x1000000xf32, #tpu.memory_space<hbm>> -> memref<32x128xf32, #tpu.memory_space<hbm>>
      %dma_start3A_229 = arith.constant 0 : i32
      %dma_start3A_230 = arith.constant 0 : i32
      %dma_start3A_231 = tpu.memref_slice %arg7[%dma_start3A_222, %dma_start3A_229, %dma_start3A_230] : memref<16x32x128xf32, #tpu.memory_space<vmem>> -> memref<1x32x128xf32, #tpu.memory_space<vmem>>
      %dma_start3A_232 = tpu.memref_squeeze %dma_start3A_231 : memref<1x32x128xf32, #tpu.memory_space<vmem>> -> memref<32x128xf32, #tpu.memory_space<vmem>>
      %dma_start3A_233 = arith.constant 0 : i32
      %dma_start3A_234 = tpu.memref_slice %arg3[%dma_start3A_233, %multiple_of3A_221] : memref<32x1000000xf32, #tpu.memory_space<hbm>> -> memref<32x128xf32, #tpu.memory_space<hbm>>
      tpu.enqueue_dma source(%dma_start3A_234 : memref<32x128xf32, #tpu.memory_space<hbm>>) target(%dma_start3A_232 : memref<32x128xf32, #tpu.memory_space<vmem>>) target_semaphore(%arg10 : memref<!tpu.dma_semaphore, #tpu.memory_space<semaphore_mem>>)
      %slice3A_235 = vector.extract_strided_slice %and3A_59 {offsets = [11], sizes = [1], strides = [1]} : vector<16xi32> to vector<1xi32>
      %squeeze3A_236 = vector.extract %slice3A_235[0] : i32 from vector<1xi32>
      %multiple_of3A_237 = tpu.assume_multiple %squeeze3A_236, 128 : i32
      %dma_start3A_238 = arith.constant 11 : i32
      %dma_start3A_239 = arith.constant 0 : i32
      %dma_start3A_240 = arith.constant 0 : i32
      %dma_start3A_241 = tpu.memref_slice %arg7[%dma_start3A_238, %dma_start3A_239, %dma_start3A_240] : memref<16x32x128xf32, #tpu.memory_space<vmem>> -> memref<1x32x128xf32, #tpu.memory_space<vmem>>
      %dma_start3A_242 = tpu.memref_squeeze %dma_start3A_241 : memref<1x32x128xf32, #tpu.memory_space<vmem>> -> memref<32x128xf32, #tpu.memory_space<vmem>>
      %dma_start3A_243 = arith.constant 0 : i32
      %dma_start3A_244 = tpu.memref_slice %arg3[%dma_start3A_243, %multiple_of3A_237] : memref<32x1000000xf32, #tpu.memory_space<hbm>> -> memref<32x128xf32, #tpu.memory_space<hbm>>
      %dma_start3A_245 = arith.constant 0 : i32
      %dma_start3A_246 = arith.constant 0 : i32
      %dma_start3A_247 = tpu.memref_slice %arg7[%dma_start3A_238, %dma_start3A_245, %dma_start3A_246] : memref<16x32x128xf32, #tpu.memory_space<vmem>> -> memref<1x32x128xf32, #tpu.memory_space<vmem>>
      %dma_start3A_248 = tpu.memref_squeeze %dma_start3A_247 : memref<1x32x128xf32, #tpu.memory_space<vmem>> -> memref<32x128xf32, #tpu.memory_space<vmem>>
      %dma_start3A_249 = arith.constant 0 : i32
      %dma_start3A_250 = tpu.memref_slice %arg3[%dma_start3A_249, %multiple_of3A_237] : memref<32x1000000xf32, #tpu.memory_space<hbm>> -> memref<32x128xf32, #tpu.memory_space<hbm>>
      tpu.enqueue_dma source(%dma_start3A_250 : memref<32x128xf32, #tpu.memory_space<hbm>>) target(%dma_start3A_248 : memref<32x128xf32, #tpu.memory_space<vmem>>) target_semaphore(%arg10 : memref<!tpu.dma_semaphore, #tpu.memory_space<semaphore_mem>>)
      %slice3A_251 = vector.extract_strided_slice %and3A_59 {offsets = [12], sizes = [1], strides = [1]} : vector<16xi32> to vector<1xi32>
      %squeeze3A_252 = vector.extract %slice3A_251[0] : i32 from vector<1xi32>
      %multiple_of3A_253 = tpu.assume_multiple %squeeze3A_252, 128 : i32
      %dma_start3A_254 = arith.constant 12 : i32
      %dma_start3A_255 = arith.constant 0 : i32
      %dma_start3A_256 = arith.constant 0 : i32
      %dma_start3A_257 = tpu.memref_slice %arg7[%dma_start3A_254, %dma_start3A_255, %dma_start3A_256] : memref<16x32x128xf32, #tpu.memory_space<vmem>> -> memref<1x32x128xf32, #tpu.memory_space<vmem>>
      %dma_start3A_258 = tpu.memref_squeeze %dma_start3A_257 : memref<1x32x128xf32, #tpu.memory_space<vmem>> -> memref<32x128xf32, #tpu.memory_space<vmem>>
      %dma_start3A_259 = arith.constant 0 : i32
      %dma_start3A_260 = tpu.memref_slice %arg3[%dma_start3A_259, %multiple_of3A_253] : memref<32x1000000xf32, #tpu.memory_space<hbm>> -> memref<32x128xf32, #tpu.memory_space<hbm>>
      %dma_start3A_261 = arith.constant 0 : i32
      %dma_start3A_262 = arith.constant 0 : i32
      %dma_start3A_263 = tpu.memref_slice %arg7[%dma_start3A_254, %dma_start3A_261, %dma_start3A_262] : memref<16x32x128xf32, #tpu.memory_space<vmem>> -> memref<1x32x128xf32, #tpu.memory_space<vmem>>
      %dma_start3A_264 = tpu.memref_squeeze %dma_start3A_263 : memref<1x32x128xf32, #tpu.memory_space<vmem>> -> memref<32x128xf32, #tpu.memory_space<vmem>>
      %dma_start3A_265 = arith.constant 0 : i32
      %dma_start3A_266 = tpu.memref_slice %arg3[%dma_start3A_265, %multiple_of3A_253] : memref<32x1000000xf32, #tpu.memory_space<hbm>> -> memref<32x128xf32, #tpu.memory_space<hbm>>
      tpu.enqueue_dma source(%dma_start3A_266 : memref<32x128xf32, #tpu.memory_space<hbm>>) target(%dma_start3A_264 : memref<32x128xf32, #tpu.memory_space<vmem>>) target_semaphore(%arg10 : memref<!tpu.dma_semaphore, #tpu.memory_space<semaphore_mem>>)
      %slice3A_267 = vector.extract_strided_slice %and3A_59 {offsets = [13], sizes = [1], strides = [1]} : vector<16xi32> to vector<1xi32>
      %squeeze3A_268 = vector.extract %slice3A_267[0] : i32 from vector<1xi32>
      %multiple_of3A_269 = tpu.assume_multiple %squeeze3A_268, 128 : i32
      %dma_start3A_270 = arith.constant 13 : i32
      %dma_start3A_271 = arith.constant 0 : i32
      %dma_start3A_272 = arith.constant 0 : i32
      %dma_start3A_273 = tpu.memref_slice %arg7[%dma_start3A_270, %dma_start3A_271, %dma_start3A_272] : memref<16x32x128xf32, #tpu.memory_space<vmem>> -> memref<1x32x128xf32, #tpu.memory_space<vmem>>
      %dma_start3A_274 = tpu.memref_squeeze %dma_start3A_273 : memref<1x32x128xf32, #tpu.memory_space<vmem>> -> memref<32x128xf32, #tpu.memory_space<vmem>>
      %dma_start3A_275 = arith.constant 0 : i32
      %dma_start3A_276 = tpu.memref_slice %arg3[%dma_start3A_275, %multiple_of3A_269] : memref<32x1000000xf32, #tpu.memory_space<hbm>> -> memref<32x128xf32, #tpu.memory_space<hbm>>
      %dma_start3A_277 = arith.constant 0 : i32
      %dma_start3A_278 = arith.constant 0 : i32
      %dma_start3A_279 = tpu.memref_slice %arg7[%dma_start3A_270, %dma_start3A_277, %dma_start3A_278] : memref<16x32x128xf32, #tpu.memory_space<vmem>> -> memref<1x32x128xf32, #tpu.memory_space<vmem>>
      %dma_start3A_280 = tpu.memref_squeeze %dma_start3A_279 : memref<1x32x128xf32, #tpu.memory_space<vmem>> -> memref<32x128xf32, #tpu.memory_space<vmem>>
      %dma_start3A_281 = arith.constant 0 : i32
      %dma_start3A_282 = tpu.memref_slice %arg3[%dma_start3A_281, %multiple_of3A_269] : memref<32x1000000xf32, #tpu.memory_space<hbm>> -> memref<32x128xf32, #tpu.memory_space<hbm>>
      tpu.enqueue_dma source(%dma_start3A_282 : memref<32x128xf32, #tpu.memory_space<hbm>>) target(%dma_start3A_280 : memref<32x128xf32, #tpu.memory_space<vmem>>) target_semaphore(%arg10 : memref<!tpu.dma_semaphore, #tpu.memory_space<semaphore_mem>>)
      %slice3A_283 = vector.extract_strided_slice %and3A_59 {offsets = [14], sizes = [1], strides = [1]} : vector<16xi32> to vector<1xi32>
      %squeeze3A_284 = vector.extract %slice3A_283[0] : i32 from vector<1xi32>
      %multiple_of3A_285 = tpu.assume_multiple %squeeze3A_284, 128 : i32
      %dma_start3A_286 = arith.constant 14 : i32
      %dma_start3A_287 = arith.constant 0 : i32
      %dma_start3A_288 = arith.constant 0 : i32
      %dma_start3A_289 = tpu.memref_slice %arg7[%dma_start3A_286, %dma_start3A_287, %dma_start3A_288] : memref<16x32x128xf32, #tpu.memory_space<vmem>> -> memref<1x32x128xf32, #tpu.memory_space<vmem>>
      %dma_start3A_290 = tpu.memref_squeeze %dma_start3A_289 : memref<1x32x128xf32, #tpu.memory_space<vmem>> -> memref<32x128xf32, #tpu.memory_space<vmem>>
      %dma_start3A_291 = arith.constant 0 : i32
      %dma_start3A_292 = tpu.memref_slice %arg3[%dma_start3A_291, %multiple_of3A_285] : memref<32x1000000xf32, #tpu.memory_space<hbm>> -> memref<32x128xf32, #tpu.memory_space<hbm>>
      %dma_start3A_293 = arith.constant 0 : i32
      %dma_start3A_294 = arith.constant 0 : i32
      %dma_start3A_295 = tpu.memref_slice %arg7[%dma_start3A_286, %dma_start3A_293, %dma_start3A_294] : memref<16x32x128xf32, #tpu.memory_space<vmem>> -> memref<1x32x128xf32, #tpu.memory_space<vmem>>
      %dma_start3A_296 = tpu.memref_squeeze %dma_start3A_295 : memref<1x32x128xf32, #tpu.memory_space<vmem>> -> memref<32x128xf32, #tpu.memory_space<vmem>>
      %dma_start3A_297 = arith.constant 0 : i32
      %dma_start3A_298 = tpu.memref_slice %arg3[%dma_start3A_297, %multiple_of3A_285] : memref<32x1000000xf32, #tpu.memory_space<hbm>> -> memref<32x128xf32, #tpu.memory_space<hbm>>
      tpu.enqueue_dma source(%dma_start3A_298 : memref<32x128xf32, #tpu.memory_space<hbm>>) target(%dma_start3A_296 : memref<32x128xf32, #tpu.memory_space<vmem>>) target_semaphore(%arg10 : memref<!tpu.dma_semaphore, #tpu.memory_space<semaphore_mem>>)
      %slice3A_299 = vector.extract_strided_slice %and3A_59 {offsets = [15], sizes = [1], strides = [1]} : vector<16xi32> to vector<1xi32>
      %squeeze3A_300 = vector.extract %slice3A_299[0] : i32 from vector<1xi32>
      %multiple_of3A_301 = tpu.assume_multiple %squeeze3A_300, 128 : i32
      %dma_start3A_302 = arith.constant 15 : i32
      %dma_start3A_303 = arith.constant 0 : i32
      %dma_start3A_304 = arith.constant 0 : i32
      %dma_start3A_305 = tpu.memref_slice %arg7[%dma_start3A_302, %dma_start3A_303, %dma_start3A_304] : memref<16x32x128xf32, #tpu.memory_space<vmem>> -> memref<1x32x128xf32, #tpu.memory_space<vmem>>
      %dma_start3A_306 = tpu.memref_squeeze %dma_start3A_305 : memref<1x32x128xf32, #tpu.memory_space<vmem>> -> memref<32x128xf32, #tpu.memory_space<vmem>>
      %dma_start3A_307 = arith.constant 0 : i32
      %dma_start3A_308 = tpu.memref_slice %arg3[%dma_start3A_307, %multiple_of3A_301] : memref<32x1000000xf32, #tpu.memory_space<hbm>> -> memref<32x128xf32, #tpu.memory_space<hbm>>
      %dma_start3A_309 = arith.constant 0 : i32
      %dma_start3A_310 = arith.constant 0 : i32
      %dma_start3A_311 = tpu.memref_slice %arg7[%dma_start3A_302, %dma_start3A_309, %dma_start3A_310] : memref<16x32x128xf32, #tpu.memory_space<vmem>> -> memref<1x32x128xf32, #tpu.memory_space<vmem>>
      %dma_start3A_312 = tpu.memref_squeeze %dma_start3A_311 : memref<1x32x128xf32, #tpu.memory_space<vmem>> -> memref<32x128xf32, #tpu.memory_space<vmem>>
      %dma_start3A_313 = arith.constant 0 : i32
      %dma_start3A_314 = tpu.memref_slice %arg3[%dma_start3A_313, %multiple_of3A_301] : memref<32x1000000xf32, #tpu.memory_space<hbm>> -> memref<32x128xf32, #tpu.memory_space<hbm>>
      tpu.enqueue_dma source(%dma_start3A_314 : memref<32x128xf32, #tpu.memory_space<hbm>>) target(%dma_start3A_312 : memref<32x128xf32, #tpu.memory_space<vmem>>) target_semaphore(%arg10 : memref<!tpu.dma_semaphore, #tpu.memory_space<semaphore_mem>>)
      %dma_wait3A = arith.constant 0 : i32
      %dma_wait3A_315 = arith.constant 0 : i32
      %dma_wait3A_316 = arith.constant 0 : i32
      %dma_wait3A_317 = tpu.memref_slice %arg7[%dma_wait3A, %dma_wait3A_315, %dma_wait3A_316] : memref<16x32x128xf32, #tpu.memory_space<vmem>> -> memref<1x32x128xf32, #tpu.memory_space<vmem>>
      %dma_wait3A_318 = tpu.memref_squeeze %dma_wait3A_317 : memref<1x32x128xf32, #tpu.memory_space<vmem>> -> memref<32x128xf32, #tpu.memory_space<vmem>>
      %dma_wait3A_319 = arith.constant 0 : i32
      %dma_wait3A_320 = tpu.memref_slice %arg3[%dma_wait3A_319, %multiple_of3A] : memref<32x1000000xf32, #tpu.memory_space<hbm>> -> memref<32x128xf32, #tpu.memory_space<hbm>>
      %dma_wait3A_321 = arith.constant 0 : i32
      %dma_wait3A_322 = arith.constant 0 : i32
      %dma_wait3A_323 = tpu.memref_slice %arg7[%dma_wait3A, %dma_wait3A_321, %dma_wait3A_322] : memref<16x32x128xf32, #tpu.memory_space<vmem>> -> memref<1x32x128xf32, #tpu.memory_space<vmem>>
      %dma_wait3A_324 = tpu.memref_squeeze %dma_wait3A_323 : memref<1x32x128xf32, #tpu.memory_space<vmem>> -> memref<32x128xf32, #tpu.memory_space<vmem>>
      %dma_wait3A_325 = arith.constant 0 : i32
      %dma_wait3A_326 = tpu.memref_slice %arg3[%dma_wait3A_325, %multiple_of3A] : memref<32x1000000xf32, #tpu.memory_space<hbm>> -> memref<32x128xf32, #tpu.memory_space<hbm>>
      tpu.wait_dma2 semaphore(%arg10 : memref<!tpu.dma_semaphore, #tpu.memory_space<semaphore_mem>>) src(%dma_wait3A_326 : memref<32x128xf32, #tpu.memory_space<hbm>>) dst(%dma_wait3A_324 : memref<32x128xf32, #tpu.memory_space<vmem>>)
      %dma_wait3A_327 = arith.constant 1 : i32
      %dma_wait3A_328 = arith.constant 0 : i32
      %dma_wait3A_329 = arith.constant 0 : i32
      %dma_wait3A_330 = tpu.memref_slice %arg7[%dma_wait3A_327, %dma_wait3A_328, %dma_wait3A_329] : memref<16x32x128xf32, #tpu.memory_space<vmem>> -> memref<1x32x128xf32, #tpu.memory_space<vmem>>
      %dma_wait3A_331 = tpu.memref_squeeze %dma_wait3A_330 : memref<1x32x128xf32, #tpu.memory_space<vmem>> -> memref<32x128xf32, #tpu.memory_space<vmem>>
      %dma_wait3A_332 = arith.constant 0 : i32
      %dma_wait3A_333 = tpu.memref_slice %arg3[%dma_wait3A_332, %multiple_of3A_77] : memref<32x1000000xf32, #tpu.memory_space<hbm>> -> memref<32x128xf32, #tpu.memory_space<hbm>>
      %dma_wait3A_334 = arith.constant 0 : i32
      %dma_wait3A_335 = arith.constant 0 : i32
      %dma_wait3A_336 = tpu.memref_slice %arg7[%dma_wait3A_327, %dma_wait3A_334, %dma_wait3A_335] : memref<16x32x128xf32, #tpu.memory_space<vmem>> -> memref<1x32x128xf32, #tpu.memory_space<vmem>>
      %dma_wait3A_337 = tpu.memref_squeeze %dma_wait3A_336 : memref<1x32x128xf32, #tpu.memory_space<vmem>> -> memref<32x128xf32, #tpu.memory_space<vmem>>
      %dma_wait3A_338 = arith.constant 0 : i32
      %dma_wait3A_339 = tpu.memref_slice %arg3[%dma_wait3A_338, %multiple_of3A_77] : memref<32x1000000xf32, #tpu.memory_space<hbm>> -> memref<32x128xf32, #tpu.memory_space<hbm>>
      tpu.wait_dma2 semaphore(%arg10 : memref<!tpu.dma_semaphore, #tpu.memory_space<semaphore_mem>>) src(%dma_wait3A_339 : memref<32x128xf32, #tpu.memory_space<hbm>>) dst(%dma_wait3A_337 : memref<32x128xf32, #tpu.memory_space<vmem>>)
      %dma_wait3A_340 = arith.constant 2 : i32
      %dma_wait3A_341 = arith.constant 0 : i32
      %dma_wait3A_342 = arith.constant 0 : i32
      %dma_wait3A_343 = tpu.memref_slice %arg7[%dma_wait3A_340, %dma_wait3A_341, %dma_wait3A_342] : memref<16x32x128xf32, #tpu.memory_space<vmem>> -> memref<1x32x128xf32, #tpu.memory_space<vmem>>
      %dma_wait3A_344 = tpu.memref_squeeze %dma_wait3A_343 : memref<1x32x128xf32, #tpu.memory_space<vmem>> -> memref<32x128xf32, #tpu.memory_space<vmem>>
      %dma_wait3A_345 = arith.constant 0 : i32
      %dma_wait3A_346 = tpu.memref_slice %arg3[%dma_wait3A_345, %multiple_of3A_93] : memref<32x1000000xf32, #tpu.memory_space<hbm>> -> memref<32x128xf32, #tpu.memory_space<hbm>>
      %dma_wait3A_347 = arith.constant 0 : i32
      %dma_wait3A_348 = arith.constant 0 : i32
      %dma_wait3A_349 = tpu.memref_slice %arg7[%dma_wait3A_340, %dma_wait3A_347, %dma_wait3A_348] : memref<16x32x128xf32, #tpu.memory_space<vmem>> -> memref<1x32x128xf32, #tpu.memory_space<vmem>>
      %dma_wait3A_350 = tpu.memref_squeeze %dma_wait3A_349 : memref<1x32x128xf32, #tpu.memory_space<vmem>> -> memref<32x128xf32, #tpu.memory_space<vmem>>
      %dma_wait3A_351 = arith.constant 0 : i32
      %dma_wait3A_352 = tpu.memref_slice %arg3[%dma_wait3A_351, %multiple_of3A_93] : memref<32x1000000xf32, #tpu.memory_space<hbm>> -> memref<32x128xf32, #tpu.memory_space<hbm>>
      tpu.wait_dma2 semaphore(%arg10 : memref<!tpu.dma_semaphore, #tpu.memory_space<semaphore_mem>>) src(%dma_wait3A_352 : memref<32x128xf32, #tpu.memory_space<hbm>>) dst(%dma_wait3A_350 : memref<32x128xf32, #tpu.memory_space<vmem>>)
      %dma_wait3A_353 = arith.constant 3 : i32
      %dma_wait3A_354 = arith.constant 0 : i32
      %dma_wait3A_355 = arith.constant 0 : i32
      %dma_wait3A_356 = tpu.memref_slice %arg7[%dma_wait3A_353, %dma_wait3A_354, %dma_wait3A_355] : memref<16x32x128xf32, #tpu.memory_space<vmem>> -> memref<1x32x128xf32, #tpu.memory_space<vmem>>
      %dma_wait3A_357 = tpu.memref_squeeze %dma_wait3A_356 : memref<1x32x128xf32, #tpu.memory_space<vmem>> -> memref<32x128xf32, #tpu.memory_space<vmem>>
      %dma_wait3A_358 = arith.constant 0 : i32
      %dma_wait3A_359 = tpu.memref_slice %arg3[%dma_wait3A_358, %multiple_of3A_109] : memref<32x1000000xf32, #tpu.memory_space<hbm>> -> memref<32x128xf32, #tpu.memory_space<hbm>>
      %dma_wait3A_360 = arith.constant 0 : i32
      %dma_wait3A_361 = arith.constant 0 : i32
      %dma_wait3A_362 = tpu.memref_slice %arg7[%dma_wait3A_353, %dma_wait3A_360, %dma_wait3A_361] : memref<16x32x128xf32, #tpu.memory_space<vmem>> -> memref<1x32x128xf32, #tpu.memory_space<vmem>>
      %dma_wait3A_363 = tpu.memref_squeeze %dma_wait3A_362 : memref<1x32x128xf32, #tpu.memory_space<vmem>> -> memref<32x128xf32, #tpu.memory_space<vmem>>
      %dma_wait3A_364 = arith.constant 0 : i32
      %dma_wait3A_365 = tpu.memref_slice %arg3[%dma_wait3A_364, %multiple_of3A_109] : memref<32x1000000xf32, #tpu.memory_space<hbm>> -> memref<32x128xf32, #tpu.memory_space<hbm>>
      tpu.wait_dma2 semaphore(%arg10 : memref<!tpu.dma_semaphore, #tpu.memory_space<semaphore_mem>>) src(%dma_wait3A_365 : memref<32x128xf32, #tpu.memory_space<hbm>>) dst(%dma_wait3A_363 : memref<32x128xf32, #tpu.memory_space<vmem>>)
      %dma_wait3A_366 = arith.constant 4 : i32
      %dma_wait3A_367 = arith.constant 0 : i32
      %dma_wait3A_368 = arith.constant 0 : i32
      %dma_wait3A_369 = tpu.memref_slice %arg7[%dma_wait3A_366, %dma_wait3A_367, %dma_wait3A_368] : memref<16x32x128xf32, #tpu.memory_space<vmem>> -> memref<1x32x128xf32, #tpu.memory_space<vmem>>
      %dma_wait3A_370 = tpu.memref_squeeze %dma_wait3A_369 : memref<1x32x128xf32, #tpu.memory_space<vmem>> -> memref<32x128xf32, #tpu.memory_space<vmem>>
      %dma_wait3A_371 = arith.constant 0 : i32
      %dma_wait3A_372 = tpu.memref_slice %arg3[%dma_wait3A_371, %multiple_of3A_125] : memref<32x1000000xf32, #tpu.memory_space<hbm>> -> memref<32x128xf32, #tpu.memory_space<hbm>>
      %dma_wait3A_373 = arith.constant 0 : i32
      %dma_wait3A_374 = arith.constant 0 : i32
      %dma_wait3A_375 = tpu.memref_slice %arg7[%dma_wait3A_366, %dma_wait3A_373, %dma_wait3A_374] : memref<16x32x128xf32, #tpu.memory_space<vmem>> -> memref<1x32x128xf32, #tpu.memory_space<vmem>>
      %dma_wait3A_376 = tpu.memref_squeeze %dma_wait3A_375 : memref<1x32x128xf32, #tpu.memory_space<vmem>> -> memref<32x128xf32, #tpu.memory_space<vmem>>
      %dma_wait3A_377 = arith.constant 0 : i32
      %dma_wait3A_378 = tpu.memref_slice %arg3[%dma_wait3A_377, %multiple_of3A_125] : memref<32x1000000xf32, #tpu.memory_space<hbm>> -> memref<32x128xf32, #tpu.memory_space<hbm>>
      tpu.wait_dma2 semaphore(%arg10 : memref<!tpu.dma_semaphore, #tpu.memory_space<semaphore_mem>>) src(%dma_wait3A_378 : memref<32x128xf32, #tpu.memory_space<hbm>>) dst(%dma_wait3A_376 : memref<32x128xf32, #tpu.memory_space<vmem>>)
      %dma_wait3A_379 = arith.constant 5 : i32
      %dma_wait3A_380 = arith.constant 0 : i32
      %dma_wait3A_381 = arith.constant 0 : i32
      %dma_wait3A_382 = tpu.memref_slice %arg7[%dma_wait3A_379, %dma_wait3A_380, %dma_wait3A_381] : memref<16x32x128xf32, #tpu.memory_space<vmem>> -> memref<1x32x128xf32, #tpu.memory_space<vmem>>
      %dma_wait3A_383 = tpu.memref_squeeze %dma_wait3A_382 : memref<1x32x128xf32, #tpu.memory_space<vmem>> -> memref<32x128xf32, #tpu.memory_space<vmem>>
      %dma_wait3A_384 = arith.constant 0 : i32
      %dma_wait3A_385 = tpu.memref_slice %arg3[%dma_wait3A_384, %multiple_of3A_141] : memref<32x1000000xf32, #tpu.memory_space<hbm>> -> memref<32x128xf32, #tpu.memory_space<hbm>>
      %dma_wait3A_386 = arith.constant 0 : i32
      %dma_wait3A_387 = arith.constant 0 : i32
      %dma_wait3A_388 = tpu.memref_slice %arg7[%dma_wait3A_379, %dma_wait3A_386, %dma_wait3A_387] : memref<16x32x128xf32, #tpu.memory_space<vmem>> -> memref<1x32x128xf32, #tpu.memory_space<vmem>>
      %dma_wait3A_389 = tpu.memref_squeeze %dma_wait3A_388 : memref<1x32x128xf32, #tpu.memory_space<vmem>> -> memref<32x128xf32, #tpu.memory_space<vmem>>
      %dma_wait3A_390 = arith.constant 0 : i32
      %dma_wait3A_391 = tpu.memref_slice %arg3[%dma_wait3A_390, %multiple_of3A_141] : memref<32x1000000xf32, #tpu.memory_space<hbm>> -> memref<32x128xf32, #tpu.memory_space<hbm>>
      tpu.wait_dma2 semaphore(%arg10 : memref<!tpu.dma_semaphore, #tpu.memory_space<semaphore_mem>>) src(%dma_wait3A_391 : memref<32x128xf32, #tpu.memory_space<hbm>>) dst(%dma_wait3A_389 : memref<32x128xf32, #tpu.memory_space<vmem>>)
      %dma_wait3A_392 = arith.constant 6 : i32
      %dma_wait3A_393 = arith.constant 0 : i32
      %dma_wait3A_394 = arith.constant 0 : i32
      %dma_wait3A_395 = tpu.memref_slice %arg7[%dma_wait3A_392, %dma_wait3A_393, %dma_wait3A_394] : memref<16x32x128xf32, #tpu.memory_space<vmem>> -> memref<1x32x128xf32, #tpu.memory_space<vmem>>
      %dma_wait3A_396 = tpu.memref_squeeze %dma_wait3A_395 : memref<1x32x128xf32, #tpu.memory_space<vmem>> -> memref<32x128xf32, #tpu.memory_space<vmem>>
      %dma_wait3A_397 = arith.constant 0 : i32
      %dma_wait3A_398 = tpu.memref_slice %arg3[%dma_wait3A_397, %multiple_of3A_157] : memref<32x1000000xf32, #tpu.memory_space<hbm>> -> memref<32x128xf32, #tpu.memory_space<hbm>>
      %dma_wait3A_399 = arith.constant 0 : i32
      %dma_wait3A_400 = arith.constant 0 : i32
      %dma_wait3A_401 = tpu.memref_slice %arg7[%dma_wait3A_392, %dma_wait3A_399, %dma_wait3A_400] : memref<16x32x128xf32, #tpu.memory_space<vmem>> -> memref<1x32x128xf32, #tpu.memory_space<vmem>>
      %dma_wait3A_402 = tpu.memref_squeeze %dma_wait3A_401 : memref<1x32x128xf32, #tpu.memory_space<vmem>> -> memref<32x128xf32, #tpu.memory_space<vmem>>
      %dma_wait3A_403 = arith.constant 0 : i32
      %dma_wait3A_404 = tpu.memref_slice %arg3[%dma_wait3A_403, %multiple_of3A_157] : memref<32x1000000xf32, #tpu.memory_space<hbm>> -> memref<32x128xf32, #tpu.memory_space<hbm>>
      tpu.wait_dma2 semaphore(%arg10 : memref<!tpu.dma_semaphore, #tpu.memory_space<semaphore_mem>>) src(%dma_wait3A_404 : memref<32x128xf32, #tpu.memory_space<hbm>>) dst(%dma_wait3A_402 : memref<32x128xf32, #tpu.memory_space<vmem>>)
      %dma_wait3A_405 = arith.constant 7 : i32
      %dma_wait3A_406 = arith.constant 0 : i32
      %dma_wait3A_407 = arith.constant 0 : i32
      %dma_wait3A_408 = tpu.memref_slice %arg7[%dma_wait3A_405, %dma_wait3A_406, %dma_wait3A_407] : memref<16x32x128xf32, #tpu.memory_space<vmem>> -> memref<1x32x128xf32, #tpu.memory_space<vmem>>
      %dma_wait3A_409 = tpu.memref_squeeze %dma_wait3A_408 : memref<1x32x128xf32, #tpu.memory_space<vmem>> -> memref<32x128xf32, #tpu.memory_space<vmem>>
      %dma_wait3A_410 = arith.constant 0 : i32
      %dma_wait3A_411 = tpu.memref_slice %arg3[%dma_wait3A_410, %multiple_of3A_173] : memref<32x1000000xf32, #tpu.memory_space<hbm>> -> memref<32x128xf32, #tpu.memory_space<hbm>>
      %dma_wait3A_412 = arith.constant 0 : i32
      %dma_wait3A_413 = arith.constant 0 : i32
      %dma_wait3A_414 = tpu.memref_slice %arg7[%dma_wait3A_405, %dma_wait3A_412, %dma_wait3A_413] : memref<16x32x128xf32, #tpu.memory_space<vmem>> -> memref<1x32x128xf32, #tpu.memory_space<vmem>>
      %dma_wait3A_415 = tpu.memref_squeeze %dma_wait3A_414 : memref<1x32x128xf32, #tpu.memory_space<vmem>> -> memref<32x128xf32, #tpu.memory_space<vmem>>
      %dma_wait3A_416 = arith.constant 0 : i32
      %dma_wait3A_417 = tpu.memref_slice %arg3[%dma_wait3A_416, %multiple_of3A_173] : memref<32x1000000xf32, #tpu.memory_space<hbm>> -> memref<32x128xf32, #tpu.memory_space<hbm>>
      tpu.wait_dma2 semaphore(%arg10 : memref<!tpu.dma_semaphore, #tpu.memory_space<semaphore_mem>>) src(%dma_wait3A_417 : memref<32x128xf32, #tpu.memory_space<hbm>>) dst(%dma_wait3A_415 : memref<32x128xf32, #tpu.memory_space<vmem>>)
      %dma_wait3A_418 = arith.constant 8 : i32
      %dma_wait3A_419 = arith.constant 0 : i32
      %dma_wait3A_420 = arith.constant 0 : i32
      %dma_wait3A_421 = tpu.memref_slice %arg7[%dma_wait3A_418, %dma_wait3A_419, %dma_wait3A_420] : memref<16x32x128xf32, #tpu.memory_space<vmem>> -> memref<1x32x128xf32, #tpu.memory_space<vmem>>
      %dma_wait3A_422 = tpu.memref_squeeze %dma_wait3A_421 : memref<1x32x128xf32, #tpu.memory_space<vmem>> -> memref<32x128xf32, #tpu.memory_space<vmem>>
      %dma_wait3A_423 = arith.constant 0 : i32
      %dma_wait3A_424 = tpu.memref_slice %arg3[%dma_wait3A_423, %multiple_of3A_189] : memref<32x1000000xf32, #tpu.memory_space<hbm>> -> memref<32x128xf32, #tpu.memory_space<hbm>>
      %dma_wait3A_425 = arith.constant 0 : i32
      %dma_wait3A_426 = arith.constant 0 : i32
      %dma_wait3A_427 = tpu.memref_slice %arg7[%dma_wait3A_418, %dma_wait3A_425, %dma_wait3A_426] : memref<16x32x128xf32, #tpu.memory_space<vmem>> -> memref<1x32x128xf32, #tpu.memory_space<vmem>>
      %dma_wait3A_428 = tpu.memref_squeeze %dma_wait3A_427 : memref<1x32x128xf32, #tpu.memory_space<vmem>> -> memref<32x128xf32, #tpu.memory_space<vmem>>
      %dma_wait3A_429 = arith.constant 0 : i32
      %dma_wait3A_430 = tpu.memref_slice %arg3[%dma_wait3A_429, %multiple_of3A_189] : memref<32x1000000xf32, #tpu.memory_space<hbm>> -> memref<32x128xf32, #tpu.memory_space<hbm>>
      tpu.wait_dma2 semaphore(%arg10 : memref<!tpu.dma_semaphore, #tpu.memory_space<semaphore_mem>>) src(%dma_wait3A_430 : memref<32x128xf32, #tpu.memory_space<hbm>>) dst(%dma_wait3A_428 : memref<32x128xf32, #tpu.memory_space<vmem>>)
      %dma_wait3A_431 = arith.constant 9 : i32
      %dma_wait3A_432 = arith.constant 0 : i32
      %dma_wait3A_433 = arith.constant 0 : i32
      %dma_wait3A_434 = tpu.memref_slice %arg7[%dma_wait3A_431, %dma_wait3A_432, %dma_wait3A_433] : memref<16x32x128xf32, #tpu.memory_space<vmem>> -> memref<1x32x128xf32, #tpu.memory_space<vmem>>
      %dma_wait3A_435 = tpu.memref_squeeze %dma_wait3A_434 : memref<1x32x128xf32, #tpu.memory_space<vmem>> -> memref<32x128xf32, #tpu.memory_space<vmem>>
      %dma_wait3A_436 = arith.constant 0 : i32
      %dma_wait3A_437 = tpu.memref_slice %arg3[%dma_wait3A_436, %multiple_of3A_205] : memref<32x1000000xf32, #tpu.memory_space<hbm>> -> memref<32x128xf32, #tpu.memory_space<hbm>>
      %dma_wait3A_438 = arith.constant 0 : i32
      %dma_wait3A_439 = arith.constant 0 : i32
      %dma_wait3A_440 = tpu.memref_slice %arg7[%dma_wait3A_431, %dma_wait3A_438, %dma_wait3A_439] : memref<16x32x128xf32, #tpu.memory_space<vmem>> -> memref<1x32x128xf32, #tpu.memory_space<vmem>>
      %dma_wait3A_441 = tpu.memref_squeeze %dma_wait3A_440 : memref<1x32x128xf32, #tpu.memory_space<vmem>> -> memref<32x128xf32, #tpu.memory_space<vmem>>
      %dma_wait3A_442 = arith.constant 0 : i32
      %dma_wait3A_443 = tpu.memref_slice %arg3[%dma_wait3A_442, %multiple_of3A_205] : memref<32x1000000xf32, #tpu.memory_space<hbm>> -> memref<32x128xf32, #tpu.memory_space<hbm>>
      tpu.wait_dma2 semaphore(%arg10 : memref<!tpu.dma_semaphore, #tpu.memory_space<semaphore_mem>>) src(%dma_wait3A_443 : memref<32x128xf32, #tpu.memory_space<hbm>>) dst(%dma_wait3A_441 : memref<32x128xf32, #tpu.memory_space<vmem>>)
      %dma_wait3A_444 = arith.constant 10 : i32
      %dma_wait3A_445 = arith.constant 0 : i32
      %dma_wait3A_446 = arith.constant 0 : i32
      %dma_wait3A_447 = tpu.memref_slice %arg7[%dma_wait3A_444, %dma_wait3A_445, %dma_wait3A_446] : memref<16x32x128xf32, #tpu.memory_space<vmem>> -> memref<1x32x128xf32, #tpu.memory_space<vmem>>
      %dma_wait3A_448 = tpu.memref_squeeze %dma_wait3A_447 : memref<1x32x128xf32, #tpu.memory_space<vmem>> -> memref<32x128xf32, #tpu.memory_space<vmem>>
      %dma_wait3A_449 = arith.constant 0 : i32
      %dma_wait3A_450 = tpu.memref_slice %arg3[%dma_wait3A_449, %multiple_of3A_221] : memref<32x1000000xf32, #tpu.memory_space<hbm>> -> memref<32x128xf32, #tpu.memory_space<hbm>>
      %dma_wait3A_451 = arith.constant 0 : i32
      %dma_wait3A_452 = arith.constant 0 : i32
      %dma_wait3A_453 = tpu.memref_slice %arg7[%dma_wait3A_444, %dma_wait3A_451, %dma_wait3A_452] : memref<16x32x128xf32, #tpu.memory_space<vmem>> -> memref<1x32x128xf32, #tpu.memory_space<vmem>>
      %dma_wait3A_454 = tpu.memref_squeeze %dma_wait3A_453 : memref<1x32x128xf32, #tpu.memory_space<vmem>> -> memref<32x128xf32, #tpu.memory_space<vmem>>
      %dma_wait3A_455 = arith.constant 0 : i32
      %dma_wait3A_456 = tpu.memref_slice %arg3[%dma_wait3A_455, %multiple_of3A_221] : memref<32x1000000xf32, #tpu.memory_space<hbm>> -> memref<32x128xf32, #tpu.memory_space<hbm>>
      tpu.wait_dma2 semaphore(%arg10 : memref<!tpu.dma_semaphore, #tpu.memory_space<semaphore_mem>>) src(%dma_wait3A_456 : memref<32x128xf32, #tpu.memory_space<hbm>>) dst(%dma_wait3A_454 : memref<32x128xf32, #tpu.memory_space<vmem>>)
      %dma_wait3A_457 = arith.constant 11 : i32
      %dma_wait3A_458 = arith.constant 0 : i32
      %dma_wait3A_459 = arith.constant 0 : i32
      %dma_wait3A_460 = tpu.memref_slice %arg7[%dma_wait3A_457, %dma_wait3A_458, %dma_wait3A_459] : memref<16x32x128xf32, #tpu.memory_space<vmem>> -> memref<1x32x128xf32, #tpu.memory_space<vmem>>
      %dma_wait3A_461 = tpu.memref_squeeze %dma_wait3A_460 : memref<1x32x128xf32, #tpu.memory_space<vmem>> -> memref<32x128xf32, #tpu.memory_space<vmem>>
      %dma_wait3A_462 = arith.constant 0 : i32
      %dma_wait3A_463 = tpu.memref_slice %arg3[%dma_wait3A_462, %multiple_of3A_237] : memref<32x1000000xf32, #tpu.memory_space<hbm>> -> memref<32x128xf32, #tpu.memory_space<hbm>>
      %dma_wait3A_464 = arith.constant 0 : i32
      %dma_wait3A_465 = arith.constant 0 : i32
      %dma_wait3A_466 = tpu.memref_slice %arg7[%dma_wait3A_457, %dma_wait3A_464, %dma_wait3A_465] : memref<16x32x128xf32, #tpu.memory_space<vmem>> -> memref<1x32x128xf32, #tpu.memory_space<vmem>>
      %dma_wait3A_467 = tpu.memref_squeeze %dma_wait3A_466 : memref<1x32x128xf32, #tpu.memory_space<vmem>> -> memref<32x128xf32, #tpu.memory_space<vmem>>
      %dma_wait3A_468 = arith.constant 0 : i32
      %dma_wait3A_469 = tpu.memref_slice %arg3[%dma_wait3A_468, %multiple_of3A_237] : memref<32x1000000xf32, #tpu.memory_space<hbm>> -> memref<32x128xf32, #tpu.memory_space<hbm>>
      tpu.wait_dma2 semaphore(%arg10 : memref<!tpu.dma_semaphore, #tpu.memory_space<semaphore_mem>>) src(%dma_wait3A_469 : memref<32x128xf32, #tpu.memory_space<hbm>>) dst(%dma_wait3A_467 : memref<32x128xf32, #tpu.memory_space<vmem>>)
      %dma_wait3A_470 = arith.constant 12 : i32
      %dma_wait3A_471 = arith.constant 0 : i32
      %dma_wait3A_472 = arith.constant 0 : i32
      %dma_wait3A_473 = tpu.memref_slice %arg7[%dma_wait3A_470, %dma_wait3A_471, %dma_wait3A_472] : memref<16x32x128xf32, #tpu.memory_space<vmem>> -> memref<1x32x128xf32, #tpu.memory_space<vmem>>
      %dma_wait3A_474 = tpu.memref_squeeze %dma_wait3A_473 : memref<1x32x128xf32, #tpu.memory_space<vmem>> -> memref<32x128xf32, #tpu.memory_space<vmem>>
      %dma_wait3A_475 = arith.constant 0 : i32
      %dma_wait3A_476 = tpu.memref_slice %arg3[%dma_wait3A_475, %multiple_of3A_253] : memref<32x1000000xf32, #tpu.memory_space<hbm>> -> memref<32x128xf32, #tpu.memory_space<hbm>>
      %dma_wait3A_477 = arith.constant 0 : i32
      %dma_wait3A_478 = arith.constant 0 : i32
      %dma_wait3A_479 = tpu.memref_slice %arg7[%dma_wait3A_470, %dma_wait3A_477, %dma_wait3A_478] : memref<16x32x128xf32, #tpu.memory_space<vmem>> -> memref<1x32x128xf32, #tpu.memory_space<vmem>>
      %dma_wait3A_480 = tpu.memref_squeeze %dma_wait3A_479 : memref<1x32x128xf32, #tpu.memory_space<vmem>> -> memref<32x128xf32, #tpu.memory_space<vmem>>
      %dma_wait3A_481 = arith.constant 0 : i32
      %dma_wait3A_482 = tpu.memref_slice %arg3[%dma_wait3A_481, %multiple_of3A_253] : memref<32x1000000xf32, #tpu.memory_space<hbm>> -> memref<32x128xf32, #tpu.memory_space<hbm>>
      tpu.wait_dma2 semaphore(%arg10 : memref<!tpu.dma_semaphore, #tpu.memory_space<semaphore_mem>>) src(%dma_wait3A_482 : memref<32x128xf32, #tpu.memory_space<hbm>>) dst(%dma_wait3A_480 : memref<32x128xf32, #tpu.memory_space<vmem>>)
      %dma_wait3A_483 = arith.constant 13 : i32
      %dma_wait3A_484 = arith.constant 0 : i32
      %dma_wait3A_485 = arith.constant 0 : i32
      %dma_wait3A_486 = tpu.memref_slice %arg7[%dma_wait3A_483, %dma_wait3A_484, %dma_wait3A_485] : memref<16x32x128xf32, #tpu.memory_space<vmem>> -> memref<1x32x128xf32, #tpu.memory_space<vmem>>
      %dma_wait3A_487 = tpu.memref_squeeze %dma_wait3A_486 : memref<1x32x128xf32, #tpu.memory_space<vmem>> -> memref<32x128xf32, #tpu.memory_space<vmem>>
      %dma_wait3A_488 = arith.constant 0 : i32
      %dma_wait3A_489 = tpu.memref_slice %arg3[%dma_wait3A_488, %multiple_of3A_269] : memref<32x1000000xf32, #tpu.memory_space<hbm>> -> memref<32x128xf32, #tpu.memory_space<hbm>>
      %dma_wait3A_490 = arith.constant 0 : i32
      %dma_wait3A_491 = arith.constant 0 : i32
      %dma_wait3A_492 = tpu.memref_slice %arg7[%dma_wait3A_483, %dma_wait3A_490, %dma_wait3A_491] : memref<16x32x128xf32, #tpu.memory_space<vmem>> -> memref<1x32x128xf32, #tpu.memory_space<vmem>>
      %dma_wait3A_493 = tpu.memref_squeeze %dma_wait3A_492 : memref<1x32x128xf32, #tpu.memory_space<vmem>> -> memref<32x128xf32, #tpu.memory_space<vmem>>
      %dma_wait3A_494 = arith.constant 0 : i32
      %dma_wait3A_495 = tpu.memref_slice %arg3[%dma_wait3A_494, %multiple_of3A_269] : memref<32x1000000xf32, #tpu.memory_space<hbm>> -> memref<32x128xf32, #tpu.memory_space<hbm>>
      tpu.wait_dma2 semaphore(%arg10 : memref<!tpu.dma_semaphore, #tpu.memory_space<semaphore_mem>>) src(%dma_wait3A_495 : memref<32x128xf32, #tpu.memory_space<hbm>>) dst(%dma_wait3A_493 : memref<32x128xf32, #tpu.memory_space<vmem>>)
      %dma_wait3A_496 = arith.constant 14 : i32
      %dma_wait3A_497 = arith.constant 0 : i32
      %dma_wait3A_498 = arith.constant 0 : i32
      %dma_wait3A_499 = tpu.memref_slice %arg7[%dma_wait3A_496, %dma_wait3A_497, %dma_wait3A_498] : memref<16x32x128xf32, #tpu.memory_space<vmem>> -> memref<1x32x128xf32, #tpu.memory_space<vmem>>
      %dma_wait3A_500 = tpu.memref_squeeze %dma_wait3A_499 : memref<1x32x128xf32, #tpu.memory_space<vmem>> -> memref<32x128xf32, #tpu.memory_space<vmem>>
      %dma_wait3A_501 = arith.constant 0 : i32
      %dma_wait3A_502 = tpu.memref_slice %arg3[%dma_wait3A_501, %multiple_of3A_285] : memref<32x1000000xf32, #tpu.memory_space<hbm>> -> memref<32x128xf32, #tpu.memory_space<hbm>>
      %dma_wait3A_503 = arith.constant 0 : i32
      %dma_wait3A_504 = arith.constant 0 : i32
      %dma_wait3A_505 = tpu.memref_slice %arg7[%dma_wait3A_496, %dma_wait3A_503, %dma_wait3A_504] : memref<16x32x128xf32, #tpu.memory_space<vmem>> -> memref<1x32x128xf32, #tpu.memory_space<vmem>>
      %dma_wait3A_506 = tpu.memref_squeeze %dma_wait3A_505 : memref<1x32x128xf32, #tpu.memory_space<vmem>> -> memref<32x128xf32, #tpu.memory_space<vmem>>
      %dma_wait3A_507 = arith.constant 0 : i32
      %dma_wait3A_508 = tpu.memref_slice %arg3[%dma_wait3A_507, %multiple_of3A_285] : memref<32x1000000xf32, #tpu.memory_space<hbm>> -> memref<32x128xf32, #tpu.memory_space<hbm>>
      tpu.wait_dma2 semaphore(%arg10 : memref<!tpu.dma_semaphore, #tpu.memory_space<semaphore_mem>>) src(%dma_wait3A_508 : memref<32x128xf32, #tpu.memory_space<hbm>>) dst(%dma_wait3A_506 : memref<32x128xf32, #tpu.memory_space<vmem>>)
      %dma_wait3A_509 = arith.constant 15 : i32
      %dma_wait3A_510 = arith.constant 0 : i32
      %dma_wait3A_511 = arith.constant 0 : i32
      %dma_wait3A_512 = tpu.memref_slice %arg7[%dma_wait3A_509, %dma_wait3A_510, %dma_wait3A_511] : memref<16x32x128xf32, #tpu.memory_space<vmem>> -> memref<1x32x128xf32, #tpu.memory_space<vmem>>
      %dma_wait3A_513 = tpu.memref_squeeze %dma_wait3A_512 : memref<1x32x128xf32, #tpu.memory_space<vmem>> -> memref<32x128xf32, #tpu.memory_space<vmem>>
      %dma_wait3A_514 = arith.constant 0 : i32
      %dma_wait3A_515 = tpu.memref_slice %arg3[%dma_wait3A_514, %multiple_of3A_301] : memref<32x1000000xf32, #tpu.memory_space<hbm>> -> memref<32x128xf32, #tpu.memory_space<hbm>>
      %dma_wait3A_516 = arith.constant 0 : i32
      %dma_wait3A_517 = arith.constant 0 : i32
      %dma_wait3A_518 = tpu.memref_slice %arg7[%dma_wait3A_509, %dma_wait3A_516, %dma_wait3A_517] : memref<16x32x128xf32, #tpu.memory_space<vmem>> -> memref<1x32x128xf32, #tpu.memory_space<vmem>>
      %dma_wait3A_519 = tpu.memref_squeeze %dma_wait3A_518 : memref<1x32x128xf32, #tpu.memory_space<vmem>> -> memref<32x128xf32, #tpu.memory_space<vmem>>
      %dma_wait3A_520 = arith.constant 0 : i32
      %dma_wait3A_521 = tpu.memref_slice %arg3[%dma_wait3A_520, %multiple_of3A_301] : memref<32x1000000xf32, #tpu.memory_space<hbm>> -> memref<32x128xf32, #tpu.memory_space<hbm>>
      tpu.wait_dma2 semaphore(%arg10 : memref<!tpu.dma_semaphore, #tpu.memory_space<semaphore_mem>>) src(%dma_wait3A_521 : memref<32x128xf32, #tpu.memory_space<hbm>>) dst(%dma_wait3A_519 : memref<32x128xf32, #tpu.memory_space<vmem>>)
      %broadcast_in_dim3A_522 = arith.constant 0 : i32
      %broadcast_in_dim3A_523 = vector.broadcast %broadcast_in_dim3A_522 : i32 to vector<16xi32>
      %gather3A = tpu.vector_load_idx %arg7[%iota3A, %broadcast_in_dim3A_523, %and3A_62] : memref<16x32x128xf32, #tpu.memory_space<vmem>>[vector<16xi32>, vector<16xi32>, vector<16xi32>], vector<16xf32>,
      %add3A_524 = arith.constant 16 : i32
      %add3A_525 = vector.broadcast %add3A_524 : i32 to vector<16xi32>
      %add3A_526 = arith.addi %broadcast_in_dim3A_523, %add3A_525 : vector<16xi32>
      %gather3A_527 = tpu.vector_load_idx %arg7[%iota3A, %add3A_526, %and3A_62] : memref<16x32x128xf32, #tpu.memory_space<vmem>>[vector<16xi32>, vector<16xi32>, vector<16xi32>], vector<16xf32>,
      %mul3A_528 = arith.constant 16 : i32
      %mul3A_529 = arith.muli %select_n3A_48, %mul3A_528 : i32
      %get3A_530 = arith.constant 0 : i32
      %get3A_531 = arith.index_cast %get3A_530 : i32 to index
      %get3A_532 = arith.index_cast %mul3A_529 : i32 to index
      %get3A_533 = tpu.vector_load %arg9[%get3A_531, %get3A_532] {strides = array<i32>} : memref<32x128xf32, #tpu.memory_space<vmem>>, vector<16xf32>,
      %mul3A_534 = arith.constant 16 : i32
      %mul3A_535 = arith.muli %select_n3A_48, %mul3A_534 : i32
      %get3A_536 = arith.constant 16 : i32
      %get3A_537 = arith.index_cast %get3A_536 : i32 to index
      %get3A_538 = arith.index_cast %mul3A_535 : i32 to index
      %get3A_539 = tpu.vector_load %arg9[%get3A_537, %get3A_538] {strides = array<i32>} : memref<32x128xf32, #tpu.memory_space<vmem>>, vector<16xf32>,
      %mul3A_540 = arith.mulf %gather3A, %get3A_533 : vector<16xf32>
      %mul3A_541 = arith.mulf %gather3A_527, %get3A_539 : vector<16xf32>
      %sub3A_542 = arith.subf %mul3A_540, %mul3A_541 : vector<16xf32>
      %mul3A_543 = arith.constant 16 : i32
      %mul3A_544 = arith.muli %select_n3A_48, %mul3A_543 : i32
      %swap3A = arith.constant 0 : i32
      %swap3A_545 = arith.index_cast %select_n3A : i32 to index
      %swap3A_546 = arith.index_cast %swap3A : i32 to index
      %swap3A_547 = arith.index_cast %mul3A_544 : i32 to index
      %swap3A_548 = tpu.vector_load %arg8[%swap3A_545, %swap3A_546, %swap3A_547] {strides = array<i32>} : memref<4x32x128xf32, #tpu.memory_space<vmem>>, vector<16xf32>,
      tpu.vector_store %arg8[%swap3A_545, %swap3A_546, %swap3A_547], %sub3A_542 {strides = array<i32>} : memref<4x32x128xf32, #tpu.memory_space<vmem>>, vector<16xf32>,
      %mul3A_549 = arith.mulf %gather3A, %get3A_539 : vector<16xf32>
      %mul3A_550 = arith.mulf %gather3A_527, %get3A_533 : vector<16xf32>
      %add3A_551 = arith.addf %mul3A_549, %mul3A_550 : vector<16xf32>
      %mul3A_552 = arith.constant 16 : i32
      %mul3A_553 = arith.muli %select_n3A_48, %mul3A_552 : i32
      %swap3A_554 = arith.constant 16 : i32
      %swap3A_555 = arith.index_cast %select_n3A : i32 to index
      %swap3A_556 = arith.index_cast %swap3A_554 : i32 to index
      %swap3A_557 = arith.index_cast %mul3A_553 : i32 to index
      %swap3A_558 = tpu.vector_load %arg8[%swap3A_555, %swap3A_556, %swap3A_557] {strides = array<i32>} : memref<4x32x128xf32, #tpu.memory_space<vmem>>, vector<16xf32>,
      tpu.vector_store %arg8[%swap3A_555, %swap3A_556, %swap3A_557], %add3A_551 {strides = array<i32>} : memref<4x32x128xf32, #tpu.memory_space<vmem>>, vector<16xf32>,
      %broadcast_in_dim3A_559 = arith.constant 1 : i32
      %broadcast_in_dim3A_560 = vector.broadcast %broadcast_in_dim3A_559 : i32 to vector<16xi32>
      %gather3A_561 = tpu.vector_load_idx %arg7[%iota3A, %broadcast_in_dim3A_560, %and3A_62] : memref<16x32x128xf32, #tpu.memory_space<vmem>>[vector<16xi32>, vector<16xi32>, vector<16xi32>], vector<16xf32>,
      %add3A_562 = arith.constant 16 : i32
      %add3A_563 = vector.broadcast %add3A_562 : i32 to vector<16xi32>
      %add3A_564 = arith.addi %broadcast_in_dim3A_560, %add3A_563 : vector<16xi32>
      %gather3A_565 = tpu.vector_load_idx %arg7[%iota3A, %add3A_564, %and3A_62] : memref<16x32x128xf32, #tpu.memory_space<vmem>>[vector<16xi32>, vector<16xi32>, vector<16xi32>], vector<16xf32>,
      %mul3A_566 = arith.constant 16 : i32
      %mul3A_567 = arith.muli %select_n3A_48, %mul3A_566 : i32
      %get3A_568 = arith.constant 1 : i32
      %get3A_569 = arith.index_cast %get3A_568 : i32 to index
      %get3A_570 = arith.index_cast %mul3A_567 : i32 to index
      %get3A_571 = tpu.vector_load %arg9[%get3A_569, %get3A_570] {strides = array<i32>} : memref<32x128xf32, #tpu.memory_space<vmem>>, vector<16xf32>,
      %mul3A_572 = arith.constant 16 : i32
      %mul3A_573 = arith.muli %select_n3A_48, %mul3A_572 : i32
      %get3A_574 = arith.constant 17 : i32
      %get3A_575 = arith.index_cast %get3A_574 : i32 to index
      %get3A_576 = arith.index_cast %mul3A_573 : i32 to index
      %get3A_577 = tpu.vector_load %arg9[%get3A_575, %get3A_576] {strides = array<i32>} : memref<32x128xf32, #tpu.memory_space<vmem>>, vector<16xf32>,
      %mul3A_578 = arith.mulf %gather3A_561, %get3A_571 : vector<16xf32>
      %mul3A_579 = arith.mulf %gather3A_565, %get3A_577 : vector<16xf32>
      %sub3A_580 = arith.subf %mul3A_578, %mul3A_579 : vector<16xf32>
      %mul3A_581 = arith.constant 16 : i32
      %mul3A_582 = arith.muli %select_n3A_48, %mul3A_581 : i32
      %swap3A_583 = arith.constant 1 : i32
      %swap3A_584 = arith.index_cast %select_n3A : i32 to index
      %swap3A_585 = arith.index_cast %swap3A_583 : i32 to index
      %swap3A_586 = arith.index_cast %mul3A_582 : i32 to index
      %swap3A_587 = tpu.vector_load %arg8[%swap3A_584, %swap3A_585, %swap3A_586] {strides = array<i32>} : memref<4x32x128xf32, #tpu.memory_space<vmem>>, vector<16xf32>,
      tpu.vector_store %arg8[%swap3A_584, %swap3A_585, %swap3A_586], %sub3A_580 {strides = array<i32>} : memref<4x32x128xf32, #tpu.memory_space<vmem>>, vector<16xf32>,
      %mul3A_588 = arith.mulf %gather3A_561, %get3A_577 : vector<16xf32>
      %mul3A_589 = arith.mulf %gather3A_565, %get3A_571 : vector<16xf32>
      %add3A_590 = arith.addf %mul3A_588, %mul3A_589 : vector<16xf32>
      %mul3A_591 = arith.constant 16 : i32
      %mul3A_592 = arith.muli %select_n3A_48, %mul3A_591 : i32
      %swap3A_593 = arith.constant 17 : i32
      %swap3A_594 = arith.index_cast %select_n3A : i32 to index
      %swap3A_595 = arith.index_cast %swap3A_593 : i32 to index
      %swap3A_596 = arith.index_cast %mul3A_592 : i32 to index
      %swap3A_597 = tpu.vector_load %arg8[%swap3A_594, %swap3A_595, %swap3A_596] {strides = array<i32>} : memref<4x32x128xf32, #tpu.memory_space<vmem>>, vector<16xf32>,
      tpu.vector_store %arg8[%swap3A_594, %swap3A_595, %swap3A_596], %add3A_590 {strides = array<i32>} : memref<4x32x128xf32, #tpu.memory_space<vmem>>, vector<16xf32>,
      %broadcast_in_dim3A_598 = arith.constant 2 : i32
      %broadcast_in_dim3A_599 = vector.broadcast %broadcast_in_dim3A_598 : i32 to vector<16xi32>
      %gather3A_600 = tpu.vector_load_idx %arg7[%iota3A, %broadcast_in_dim3A_599, %and3A_62] : memref<16x32x128xf32, #tpu.memory_space<vmem>>[vector<16xi32>, vector<16xi32>, vector<16xi32>], vector<16xf32>,
      %add3A_601 = arith.constant 16 : i32
      %add3A_602 = vector.broadcast %add3A_601 : i32 to vector<16xi32>
      %add3A_603 = arith.addi %broadcast_in_dim3A_599, %add3A_602 : vector<16xi32>
      %gather3A_604 = tpu.vector_load_idx %arg7[%iota3A, %add3A_603, %and3A_62] : memref<16x32x128xf32, #tpu.memory_space<vmem>>[vector<16xi32>, vector<16xi32>, vector<16xi32>], vector<16xf32>,
      %mul3A_605 = arith.constant 16 : i32
      %mul3A_606 = arith.muli %select_n3A_48, %mul3A_605 : i32
      %get3A_607 = arith.constant 2 : i32
      %get3A_608 = arith.index_cast %get3A_607 : i32 to index
      %get3A_609 = arith.index_cast %mul3A_606 : i32 to index
      %get3A_610 = tpu.vector_load %arg9[%get3A_608, %get3A_609] {strides = array<i32>} : memref<32x128xf32, #tpu.memory_space<vmem>>, vector<16xf32>,
      %mul3A_611 = arith.constant 16 : i32
      %mul3A_612 = arith.muli %select_n3A_48, %mul3A_611 : i32
      %get3A_613 = arith.constant 18 : i32
      %get3A_614 = arith.index_cast %get3A_613 : i32 to index
      %get3A_615 = arith.index_cast %mul3A_612 : i32 to index
      %get3A_616 = tpu.vector_load %arg9[%get3A_614, %get3A_615] {strides = array<i32>} : memref<32x128xf32, #tpu.memory_space<vmem>>, vector<16xf32>,
      %mul3A_617 = arith.mulf %gather3A_600, %get3A_610 : vector<16xf32>
      %mul3A_618 = arith.mulf %gather3A_604, %get3A_616 : vector<16xf32>
      %sub3A_619 = arith.subf %mul3A_617, %mul3A_618 : vector<16xf32>
      %mul3A_620 = arith.constant 16 : i32
      %mul3A_621 = arith.muli %select_n3A_48, %mul3A_620 : i32
      %swap3A_622 = arith.constant 2 : i32
      %swap3A_623 = arith.index_cast %select_n3A : i32 to index
      %swap3A_624 = arith.index_cast %swap3A_622 : i32 to index
      %swap3A_625 = arith.index_cast %mul3A_621 : i32 to index
      %swap3A_626 = tpu.vector_load %arg8[%swap3A_623, %swap3A_624, %swap3A_625] {strides = array<i32>} : memref<4x32x128xf32, #tpu.memory_space<vmem>>, vector<16xf32>,
      tpu.vector_store %arg8[%swap3A_623, %swap3A_624, %swap3A_625], %sub3A_619 {strides = array<i32>} : memref<4x32x128xf32, #tpu.memory_space<vmem>>, vector<16xf32>,
      %mul3A_627 = arith.mulf %gather3A_600, %get3A_616 : vector<16xf32>
      %mul3A_628 = arith.mulf %gather3A_604, %get3A_610 : vector<16xf32>
      %add3A_629 = arith.addf %mul3A_627, %mul3A_628 : vector<16xf32>
      %mul3A_630 = arith.constant 16 : i32
      %mul3A_631 = arith.muli %select_n3A_48, %mul3A_630 : i32
      %swap3A_632 = arith.constant 18 : i32
      %swap3A_633 = arith.index_cast %select_n3A : i32 to index
      %swap3A_634 = arith.index_cast %swap3A_632 : i32 to index
      %swap3A_635 = arith.index_cast %mul3A_631 : i32 to index
      %swap3A_636 = tpu.vector_load %arg8[%swap3A_633, %swap3A_634, %swap3A_635] {strides = array<i32>} : memref<4x32x128xf32, #tpu.memory_space<vmem>>, vector<16xf32>,
      tpu.vector_store %arg8[%swap3A_633, %swap3A_634, %swap3A_635], %add3A_629 {strides = array<i32>} : memref<4x32x128xf32, #tpu.memory_space<vmem>>, vector<16xf32>,
      %broadcast_in_dim3A_637 = arith.constant 3 : i32
      %broadcast_in_dim3A_638 = vector.broadcast %broadcast_in_dim3A_637 : i32 to vector<16xi32>
      %gather3A_639 = tpu.vector_load_idx %arg7[%iota3A, %broadcast_in_dim3A_638, %and3A_62] : memref<16x32x128xf32, #tpu.memory_space<vmem>>[vector<16xi32>, vector<16xi32>, vector<16xi32>], vector<16xf32>,
      %add3A_640 = arith.constant 16 : i32
      %add3A_641 = vector.broadcast %add3A_640 : i32 to vector<16xi32>
      %add3A_642 = arith.addi %broadcast_in_dim3A_638, %add3A_641 : vector<16xi32>
      %gather3A_643 = tpu.vector_load_idx %arg7[%iota3A, %add3A_642, %and3A_62] : memref<16x32x128xf32, #tpu.memory_space<vmem>>[vector<16xi32>, vector<16xi32>, vector<16xi32>], vector<16xf32>,
      %mul3A_644 = arith.constant 16 : i32
      %mul3A_645 = arith.muli %select_n3A_48, %mul3A_644 : i32
      %get3A_646 = arith.constant 3 : i32
      %get3A_647 = arith.index_cast %get3A_646 : i32 to index
      %get3A_648 = arith.index_cast %mul3A_645 : i32 to index
      %get3A_649 = tpu.vector_load %arg9[%get3A_647, %get3A_648] {strides = array<i32>} : memref<32x128xf32, #tpu.memory_space<vmem>>, vector<16xf32>,
      %mul3A_650 = arith.constant 16 : i32
      %mul3A_651 = arith.muli %select_n3A_48, %mul3A_650 : i32
      %get3A_652 = arith.constant 19 : i32
      %get3A_653 = arith.index_cast %get3A_652 : i32 to index
      %get3A_654 = arith.index_cast %mul3A_651 : i32 to index
      %get3A_655 = tpu.vector_load %arg9[%get3A_653, %get3A_654] {strides = array<i32>} : memref<32x128xf32, #tpu.memory_space<vmem>>, vector<16xf32>,
      %mul3A_656 = arith.mulf %gather3A_639, %get3A_649 : vector<16xf32>
      %mul3A_657 = arith.mulf %gather3A_643, %get3A_655 : vector<16xf32>
      %sub3A_658 = arith.subf %mul3A_656, %mul3A_657 : vector<16xf32>
      %mul3A_659 = arith.constant 16 : i32
      %mul3A_660 = arith.muli %select_n3A_48, %mul3A_659 : i32
      %swap3A_661 = arith.constant 3 : i32
      %swap3A_662 = arith.index_cast %select_n3A : i32 to index
      %swap3A_663 = arith.index_cast %swap3A_661 : i32 to index
      %swap3A_664 = arith.index_cast %mul3A_660 : i32 to index
      %swap3A_665 = tpu.vector_load %arg8[%swap3A_662, %swap3A_663, %swap3A_664] {strides = array<i32>} : memref<4x32x128xf32, #tpu.memory_space<vmem>>, vector<16xf32>,
      tpu.vector_store %arg8[%swap3A_662, %swap3A_663, %swap3A_664], %sub3A_658 {strides = array<i32>} : memref<4x32x128xf32, #tpu.memory_space<vmem>>, vector<16xf32>,
      %mul3A_666 = arith.mulf %gather3A_639, %get3A_655 : vector<16xf32>
      %mul3A_667 = arith.mulf %gather3A_643, %get3A_649 : vector<16xf32>
      %add3A_668 = arith.addf %mul3A_666, %mul3A_667 : vector<16xf32>
      %mul3A_669 = arith.constant 16 : i32
      %mul3A_670 = arith.muli %select_n3A_48, %mul3A_669 : i32
      %swap3A_671 = arith.constant 19 : i32
      %swap3A_672 = arith.index_cast %select_n3A : i32 to index
      %swap3A_673 = arith.index_cast %swap3A_671 : i32 to index
      %swap3A_674 = arith.index_cast %mul3A_670 : i32 to index
      %swap3A_675 = tpu.vector_load %arg8[%swap3A_672, %swap3A_673, %swap3A_674] {strides = array<i32>} : memref<4x32x128xf32, #tpu.memory_space<vmem>>, vector<16xf32>,
      tpu.vector_store %arg8[%swap3A_672, %swap3A_673, %swap3A_674], %add3A_668 {strides = array<i32>} : memref<4x32x128xf32, #tpu.memory_space<vmem>>, vector<16xf32>,
      %broadcast_in_dim3A_676 = arith.constant 4 : i32
      %broadcast_in_dim3A_677 = vector.broadcast %broadcast_in_dim3A_676 : i32 to vector<16xi32>
      %gather3A_678 = tpu.vector_load_idx %arg7[%iota3A, %broadcast_in_dim3A_677, %and3A_62] : memref<16x32x128xf32, #tpu.memory_space<vmem>>[vector<16xi32>, vector<16xi32>, vector<16xi32>], vector<16xf32>,
      %add3A_679 = arith.constant 16 : i32
      %add3A_680 = vector.broadcast %add3A_679 : i32 to vector<16xi32>
      %add3A_681 = arith.addi %broadcast_in_dim3A_677, %add3A_680 : vector<16xi32>
      %gather3A_682 = tpu.vector_load_idx %arg7[%iota3A, %add3A_681, %and3A_62] : memref<16x32x128xf32, #tpu.memory_space<vmem>>[vector<16xi32>, vector<16xi32>, vector<16xi32>], vector<16xf32>,
      %mul3A_683 = arith.constant 16 : i32
      %mul3A_684 = arith.muli %select_n3A_48, %mul3A_683 : i32
      %get3A_685 = arith.constant 4 : i32
      %get3A_686 = arith.index_cast %get3A_685 : i32 to index
      %get3A_687 = arith.index_cast %mul3A_684 : i32 to index
      %get3A_688 = tpu.vector_load %arg9[%get3A_686, %get3A_687] {strides = array<i32>} : memref<32x128xf32, #tpu.memory_space<vmem>>, vector<16xf32>,
      %mul3A_689 = arith.constant 16 : i32
      %mul3A_690 = arith.muli %select_n3A_48, %mul3A_689 : i32
      %get3A_691 = arith.constant 20 : i32
      %get3A_692 = arith.index_cast %get3A_691 : i32 to index
      %get3A_693 = arith.index_cast %mul3A_690 : i32 to index
      %get3A_694 = tpu.vector_load %arg9[%get3A_692, %get3A_693] {strides = array<i32>} : memref<32x128xf32, #tpu.memory_space<vmem>>, vector<16xf32>,
      %mul3A_695 = arith.mulf %gather3A_678, %get3A_688 : vector<16xf32>
      %mul3A_696 = arith.mulf %gather3A_682, %get3A_694 : vector<16xf32>
      %sub3A_697 = arith.subf %mul3A_695, %mul3A_696 : vector<16xf32>
      %mul3A_698 = arith.constant 16 : i32
      %mul3A_699 = arith.muli %select_n3A_48, %mul3A_698 : i32
      %swap3A_700 = arith.constant 4 : i32
      %swap3A_701 = arith.index_cast %select_n3A : i32 to index
      %swap3A_702 = arith.index_cast %swap3A_700 : i32 to index
      %swap3A_703 = arith.index_cast %mul3A_699 : i32 to index
      %swap3A_704 = tpu.vector_load %arg8[%swap3A_701, %swap3A_702, %swap3A_703] {strides = array<i32>} : memref<4x32x128xf32, #tpu.memory_space<vmem>>, vector<16xf32>,
      tpu.vector_store %arg8[%swap3A_701, %swap3A_702, %swap3A_703], %sub3A_697 {strides = array<i32>} : memref<4x32x128xf32, #tpu.memory_space<vmem>>, vector<16xf32>,
      %mul3A_705 = arith.mulf %gather3A_678, %get3A_694 : vector<16xf32>
      %mul3A_706 = arith.mulf %gather3A_682, %get3A_688 : vector<16xf32>
      %add3A_707 = arith.addf %mul3A_705, %mul3A_706 : vector<16xf32>
      %mul3A_708 = arith.constant 16 : i32
      %mul3A_709 = arith.muli %select_n3A_48, %mul3A_708 : i32
      %swap3A_710 = arith.constant 20 : i32
      %swap3A_711 = arith.index_cast %select_n3A : i32 to index
      %swap3A_712 = arith.index_cast %swap3A_710 : i32 to index
      %swap3A_713 = arith.index_cast %mul3A_709 : i32 to index
      %swap3A_714 = tpu.vector_load %arg8[%swap3A_711, %swap3A_712, %swap3A_713] {strides = array<i32>} : memref<4x32x128xf32, #tpu.memory_space<vmem>>, vector<16xf32>,
      tpu.vector_store %arg8[%swap3A_711, %swap3A_712, %swap3A_713], %add3A_707 {strides = array<i32>} : memref<4x32x128xf32, #tpu.memory_space<vmem>>, vector<16xf32>,
      %broadcast_in_dim3A_715 = arith.constant 5 : i32
      %broadcast_in_dim3A_716 = vector.broadcast %broadcast_in_dim3A_715 : i32 to vector<16xi32>
      %gather3A_717 = tpu.vector_load_idx %arg7[%iota3A, %broadcast_in_dim3A_716, %and3A_62] : memref<16x32x128xf32, #tpu.memory_space<vmem>>[vector<16xi32>, vector<16xi32>, vector<16xi32>], vector<16xf32>,
      %add3A_718 = arith.constant 16 : i32
      %add3A_719 = vector.broadcast %add3A_718 : i32 to vector<16xi32>
      %add3A_720 = arith.addi %broadcast_in_dim3A_716, %add3A_719 : vector<16xi32>
      %gather3A_721 = tpu.vector_load_idx %arg7[%iota3A, %add3A_720, %and3A_62] : memref<16x32x128xf32, #tpu.memory_space<vmem>>[vector<16xi32>, vector<16xi32>, vector<16xi32>], vector<16xf32>,
      %mul3A_722 = arith.constant 16 : i32
      %mul3A_723 = arith.muli %select_n3A_48, %mul3A_722 : i32
      %get3A_724 = arith.constant 5 : i32
      %get3A_725 = arith.index_cast %get3A_724 : i32 to index
      %get3A_726 = arith.index_cast %mul3A_723 : i32 to index
      %get3A_727 = tpu.vector_load %arg9[%get3A_725, %get3A_726] {strides = array<i32>} : memref<32x128xf32, #tpu.memory_space<vmem>>, vector<16xf32>,
      %mul3A_728 = arith.constant 16 : i32
      %mul3A_729 = arith.muli %select_n3A_48, %mul3A_728 : i32
      %get3A_730 = arith.constant 21 : i32
      %get3A_731 = arith.index_cast %get3A_730 : i32 to index
      %get3A_732 = arith.index_cast %mul3A_729 : i32 to index
      %get3A_733 = tpu.vector_load %arg9[%get3A_731, %get3A_732] {strides = array<i32>} : memref<32x128xf32, #tpu.memory_space<vmem>>, vector<16xf32>,
      %mul3A_734 = arith.mulf %gather3A_717, %get3A_727 : vector<16xf32>
      %mul3A_735 = arith.mulf %gather3A_721, %get3A_733 : vector<16xf32>
      %sub3A_736 = arith.subf %mul3A_734, %mul3A_735 : vector<16xf32>
      %mul3A_737 = arith.constant 16 : i32
      %mul3A_738 = arith.muli %select_n3A_48, %mul3A_737 : i32
      %swap3A_739 = arith.constant 5 : i32
      %swap3A_740 = arith.index_cast %select_n3A : i32 to index
      %swap3A_741 = arith.index_cast %swap3A_739 : i32 to index
      %swap3A_742 = arith.index_cast %mul3A_738 : i32 to index
      %swap3A_743 = tpu.vector_load %arg8[%swap3A_740, %swap3A_741, %swap3A_742] {strides = array<i32>} : memref<4x32x128xf32, #tpu.memory_space<vmem>>, vector<16xf32>,
      tpu.vector_store %arg8[%swap3A_740, %swap3A_741, %swap3A_742], %sub3A_736 {strides = array<i32>} : memref<4x32x128xf32, #tpu.memory_space<vmem>>, vector<16xf32>,
      %mul3A_744 = arith.mulf %gather3A_717, %get3A_733 : vector<16xf32>
      %mul3A_745 = arith.mulf %gather3A_721, %get3A_727 : vector<16xf32>
      %add3A_746 = arith.addf %mul3A_744, %mul3A_745 : vector<16xf32>
      %mul3A_747 = arith.constant 16 : i32
      %mul3A_748 = arith.muli %select_n3A_48, %mul3A_747 : i32
      %swap3A_749 = arith.constant 21 : i32
      %swap3A_750 = arith.index_cast %select_n3A : i32 to index
      %swap3A_751 = arith.index_cast %swap3A_749 : i32 to index
      %swap3A_752 = arith.index_cast %mul3A_748 : i32 to index
      %swap3A_753 = tpu.vector_load %arg8[%swap3A_750, %swap3A_751, %swap3A_752] {strides = array<i32>} : memref<4x32x128xf32, #tpu.memory_space<vmem>>, vector<16xf32>,
      tpu.vector_store %arg8[%swap3A_750, %swap3A_751, %swap3A_752], %add3A_746 {strides = array<i32>} : memref<4x32x128xf32, #tpu.memory_space<vmem>>, vector<16xf32>,
      %broadcast_in_dim3A_754 = arith.constant 6 : i32
      %broadcast_in_dim3A_755 = vector.broadcast %broadcast_in_dim3A_754 : i32 to vector<16xi32>
      %gather3A_756 = tpu.vector_load_idx %arg7[%iota3A, %broadcast_in_dim3A_755, %and3A_62] : memref<16x32x128xf32, #tpu.memory_space<vmem>>[vector<16xi32>, vector<16xi32>, vector<16xi32>], vector<16xf32>,
      %add3A_757 = arith.constant 16 : i32
      %add3A_758 = vector.broadcast %add3A_757 : i32 to vector<16xi32>
      %add3A_759 = arith.addi %broadcast_in_dim3A_755, %add3A_758 : vector<16xi32>
      %gather3A_760 = tpu.vector_load_idx %arg7[%iota3A, %add3A_759, %and3A_62] : memref<16x32x128xf32, #tpu.memory_space<vmem>>[vector<16xi32>, vector<16xi32>, vector<16xi32>], vector<16xf32>,
      %mul3A_761 = arith.constant 16 : i32
      %mul3A_762 = arith.muli %select_n3A_48, %mul3A_761 : i32
      %get3A_763 = arith.constant 6 : i32
      %get3A_764 = arith.index_cast %get3A_763 : i32 to index
      %get3A_765 = arith.index_cast %mul3A_762 : i32 to index
      %get3A_766 = tpu.vector_load %arg9[%get3A_764, %get3A_765] {strides = array<i32>} : memref<32x128xf32, #tpu.memory_space<vmem>>, vector<16xf32>,
      %mul3A_767 = arith.constant 16 : i32
      %mul3A_768 = arith.muli %select_n3A_48, %mul3A_767 : i32
      %get3A_769 = arith.constant 22 : i32
      %get3A_770 = arith.index_cast %get3A_769 : i32 to index
      %get3A_771 = arith.index_cast %mul3A_768 : i32 to index
      %get3A_772 = tpu.vector_load %arg9[%get3A_770, %get3A_771] {strides = array<i32>} : memref<32x128xf32, #tpu.memory_space<vmem>>, vector<16xf32>,
      %mul3A_773 = arith.mulf %gather3A_756, %get3A_766 : vector<16xf32>
      %mul3A_774 = arith.mulf %gather3A_760, %get3A_772 : vector<16xf32>
      %sub3A_775 = arith.subf %mul3A_773, %mul3A_774 : vector<16xf32>
      %mul3A_776 = arith.constant 16 : i32
      %mul3A_777 = arith.muli %select_n3A_48, %mul3A_776 : i32
      %swap3A_778 = arith.constant 6 : i32
      %swap3A_779 = arith.index_cast %select_n3A : i32 to index
      %swap3A_780 = arith.index_cast %swap3A_778 : i32 to index
      %swap3A_781 = arith.index_cast %mul3A_777 : i32 to index
      %swap3A_782 = tpu.vector_load %arg8[%swap3A_779, %swap3A_780, %swap3A_781] {strides = array<i32>} : memref<4x32x128xf32, #tpu.memory_space<vmem>>, vector<16xf32>,
      tpu.vector_store %arg8[%swap3A_779, %swap3A_780, %swap3A_781], %sub3A_775 {strides = array<i32>} : memref<4x32x128xf32, #tpu.memory_space<vmem>>, vector<16xf32>,
      %mul3A_783 = arith.mulf %gather3A_756, %get3A_772 : vector<16xf32>
      %mul3A_784 = arith.mulf %gather3A_760, %get3A_766 : vector<16xf32>
      %add3A_785 = arith.addf %mul3A_783, %mul3A_784 : vector<16xf32>
      %mul3A_786 = arith.constant 16 : i32
      %mul3A_787 = arith.muli %select_n3A_48, %mul3A_786 : i32
      %swap3A_788 = arith.constant 22 : i32
      %swap3A_789 = arith.index_cast %select_n3A : i32 to index
      %swap3A_790 = arith.index_cast %swap3A_788 : i32 to index
      %swap3A_791 = arith.index_cast %mul3A_787 : i32 to index
      %swap3A_792 = tpu.vector_load %arg8[%swap3A_789, %swap3A_790, %swap3A_791] {strides = array<i32>} : memref<4x32x128xf32, #tpu.memory_space<vmem>>, vector<16xf32>,
      tpu.vector_store %arg8[%swap3A_789, %swap3A_790, %swap3A_791], %add3A_785 {strides = array<i32>} : memref<4x32x128xf32, #tpu.memory_space<vmem>>, vector<16xf32>,
      %broadcast_in_dim3A_793 = arith.constant 7 : i32
      %broadcast_in_dim3A_794 = vector.broadcast %broadcast_in_dim3A_793 : i32 to vector<16xi32>
      %gather3A_795 = tpu.vector_load_idx %arg7[%iota3A, %broadcast_in_dim3A_794, %and3A_62] : memref<16x32x128xf32, #tpu.memory_space<vmem>>[vector<16xi32>, vector<16xi32>, vector<16xi32>], vector<16xf32>,
      %add3A_796 = arith.constant 16 : i32
      %add3A_797 = vector.broadcast %add3A_796 : i32 to vector<16xi32>
      %add3A_798 = arith.addi %broadcast_in_dim3A_794, %add3A_797 : vector<16xi32>
      %gather3A_799 = tpu.vector_load_idx %arg7[%iota3A, %add3A_798, %and3A_62] : memref<16x32x128xf32, #tpu.memory_space<vmem>>[vector<16xi32>, vector<16xi32>, vector<16xi32>], vector<16xf32>,
      %mul3A_800 = arith.constant 16 : i32
      %mul3A_801 = arith.muli %select_n3A_48, %mul3A_800 : i32
      %get3A_802 = arith.constant 7 : i32
      %get3A_803 = arith.index_cast %get3A_802 : i32 to index
      %get3A_804 = arith.index_cast %mul3A_801 : i32 to index
      %get3A_805 = tpu.vector_load %arg9[%get3A_803, %get3A_804] {strides = array<i32>} : memref<32x128xf32, #tpu.memory_space<vmem>>, vector<16xf32>,
      %mul3A_806 = arith.constant 16 : i32
      %mul3A_807 = arith.muli %select_n3A_48, %mul3A_806 : i32
      %get3A_808 = arith.constant 23 : i32
      %get3A_809 = arith.index_cast %get3A_808 : i32 to index
      %get3A_810 = arith.index_cast %mul3A_807 : i32 to index
      %get3A_811 = tpu.vector_load %arg9[%get3A_809, %get3A_810] {strides = array<i32>} : memref<32x128xf32, #tpu.memory_space<vmem>>, vector<16xf32>,
      %mul3A_812 = arith.mulf %gather3A_795, %get3A_805 : vector<16xf32>
      %mul3A_813 = arith.mulf %gather3A_799, %get3A_811 : vector<16xf32>
      %sub3A_814 = arith.subf %mul3A_812, %mul3A_813 : vector<16xf32>
      %mul3A_815 = arith.constant 16 : i32
      %mul3A_816 = arith.muli %select_n3A_48, %mul3A_815 : i32
      %swap3A_817 = arith.constant 7 : i32
      %swap3A_818 = arith.index_cast %select_n3A : i32 to index
      %swap3A_819 = arith.index_cast %swap3A_817 : i32 to index
      %swap3A_820 = arith.index_cast %mul3A_816 : i32 to index
      %swap3A_821 = tpu.vector_load %arg8[%swap3A_818, %swap3A_819, %swap3A_820] {strides = array<i32>} : memref<4x32x128xf32, #tpu.memory_space<vmem>>, vector<16xf32>,
      tpu.vector_store %arg8[%swap3A_818, %swap3A_819, %swap3A_820], %sub3A_814 {strides = array<i32>} : memref<4x32x128xf32, #tpu.memory_space<vmem>>, vector<16xf32>,
      %mul3A_822 = arith.mulf %gather3A_795, %get3A_811 : vector<16xf32>
      %mul3A_823 = arith.mulf %gather3A_799, %get3A_805 : vector<16xf32>
      %add3A_824 = arith.addf %mul3A_822, %mul3A_823 : vector<16xf32>
      %mul3A_825 = arith.constant 16 : i32
      %mul3A_826 = arith.muli %select_n3A_48, %mul3A_825 : i32
      %swap3A_827 = arith.constant 23 : i32
      %swap3A_828 = arith.index_cast %select_n3A : i32 to index
      %swap3A_829 = arith.index_cast %swap3A_827 : i32 to index
      %swap3A_830 = arith.index_cast %mul3A_826 : i32 to index
      %swap3A_831 = tpu.vector_load %arg8[%swap3A_828, %swap3A_829, %swap3A_830] {strides = array<i32>} : memref<4x32x128xf32, #tpu.memory_space<vmem>>, vector<16xf32>,
      tpu.vector_store %arg8[%swap3A_828, %swap3A_829, %swap3A_830], %add3A_824 {strides = array<i32>} : memref<4x32x128xf32, #tpu.memory_space<vmem>>, vector<16xf32>,
      %broadcast_in_dim3A_832 = arith.constant 8 : i32
      %broadcast_in_dim3A_833 = vector.broadcast %broadcast_in_dim3A_832 : i32 to vector<16xi32>
      %gather3A_834 = tpu.vector_load_idx %arg7[%iota3A, %broadcast_in_dim3A_833, %and3A_62] : memref<16x32x128xf32, #tpu.memory_space<vmem>>[vector<16xi32>, vector<16xi32>, vector<16xi32>], vector<16xf32>,
      %add3A_835 = arith.constant 16 : i32
      %add3A_836 = vector.broadcast %add3A_835 : i32 to vector<16xi32>
      %add3A_837 = arith.addi %broadcast_in_dim3A_833, %add3A_836 : vector<16xi32>
      %gather3A_838 = tpu.vector_load_idx %arg7[%iota3A, %add3A_837, %and3A_62] : memref<16x32x128xf32, #tpu.memory_space<vmem>>[vector<16xi32>, vector<16xi32>, vector<16xi32>], vector<16xf32>,
      %mul3A_839 = arith.constant 16 : i32
      %mul3A_840 = arith.muli %select_n3A_48, %mul3A_839 : i32
      %get3A_841 = arith.constant 8 : i32
      %get3A_842 = arith.index_cast %get3A_841 : i32 to index
      %get3A_843 = arith.index_cast %mul3A_840 : i32 to index
      %get3A_844 = tpu.vector_load %arg9[%get3A_842, %get3A_843] {strides = array<i32>} : memref<32x128xf32, #tpu.memory_space<vmem>>, vector<16xf32>,
      %mul3A_845 = arith.constant 16 : i32
      %mul3A_846 = arith.muli %select_n3A_48, %mul3A_845 : i32
      %get3A_847 = arith.constant 24 : i32
      %get3A_848 = arith.index_cast %get3A_847 : i32 to index
      %get3A_849 = arith.index_cast %mul3A_846 : i32 to index
      %get3A_850 = tpu.vector_load %arg9[%get3A_848, %get3A_849] {strides = array<i32>} : memref<32x128xf32, #tpu.memory_space<vmem>>, vector<16xf32>,
      %mul3A_851 = arith.mulf %gather3A_834, %get3A_844 : vector<16xf32>
      %mul3A_852 = arith.mulf %gather3A_838, %get3A_850 : vector<16xf32>
      %sub3A_853 = arith.subf %mul3A_851, %mul3A_852 : vector<16xf32>
      %mul3A_854 = arith.constant 16 : i32
      %mul3A_855 = arith.muli %select_n3A_48, %mul3A_854 : i32
      %swap3A_856 = arith.constant 8 : i32
      %swap3A_857 = arith.index_cast %select_n3A : i32 to index
      %swap3A_858 = arith.index_cast %swap3A_856 : i32 to index
      %swap3A_859 = arith.index_cast %mul3A_855 : i32 to index
      %swap3A_860 = tpu.vector_load %arg8[%swap3A_857, %swap3A_858, %swap3A_859] {strides = array<i32>} : memref<4x32x128xf32, #tpu.memory_space<vmem>>, vector<16xf32>,
      tpu.vector_store %arg8[%swap3A_857, %swap3A_858, %swap3A_859], %sub3A_853 {strides = array<i32>} : memref<4x32x128xf32, #tpu.memory_space<vmem>>, vector<16xf32>,
      %mul3A_861 = arith.mulf %gather3A_834, %get3A_850 : vector<16xf32>
      %mul3A_862 = arith.mulf %gather3A_838, %get3A_844 : vector<16xf32>
      %add3A_863 = arith.addf %mul3A_861, %mul3A_862 : vector<16xf32>
      %mul3A_864 = arith.constant 16 : i32
      %mul3A_865 = arith.muli %select_n3A_48, %mul3A_864 : i32
      %swap3A_866 = arith.constant 24 : i32
      %swap3A_867 = arith.index_cast %select_n3A : i32 to index
      %swap3A_868 = arith.index_cast %swap3A_866 : i32 to index
      %swap3A_869 = arith.index_cast %mul3A_865 : i32 to index
      %swap3A_870 = tpu.vector_load %arg8[%swap3A_867, %swap3A_868, %swap3A_869] {strides = array<i32>} : memref<4x32x128xf32, #tpu.memory_space<vmem>>, vector<16xf32>,
      tpu.vector_store %arg8[%swap3A_867, %swap3A_868, %swap3A_869], %add3A_863 {strides = array<i32>} : memref<4x32x128xf32, #tpu.memory_space<vmem>>, vector<16xf32>,
      %broadcast_in_dim3A_871 = arith.constant 9 : i32
      %broadcast_in_dim3A_872 = vector.broadcast %broadcast_in_dim3A_871 : i32 to vector<16xi32>
      %gather3A_873 = tpu.vector_load_idx %arg7[%iota3A, %broadcast_in_dim3A_872, %and3A_62] : memref<16x32x128xf32, #tpu.memory_space<vmem>>[vector<16xi32>, vector<16xi32>, vector<16xi32>], vector<16xf32>,
      %add3A_874 = arith.constant 16 : i32
      %add3A_875 = vector.broadcast %add3A_874 : i32 to vector<16xi32>
      %add3A_876 = arith.addi %broadcast_in_dim3A_872, %add3A_875 : vector<16xi32>
      %gather3A_877 = tpu.vector_load_idx %arg7[%iota3A, %add3A_876, %and3A_62] : memref<16x32x128xf32, #tpu.memory_space<vmem>>[vector<16xi32>, vector<16xi32>, vector<16xi32>], vector<16xf32>,
      %mul3A_878 = arith.constant 16 : i32
      %mul3A_879 = arith.muli %select_n3A_48, %mul3A_878 : i32
      %get3A_880 = arith.constant 9 : i32
      %get3A_881 = arith.index_cast %get3A_880 : i32 to index
      %get3A_882 = arith.index_cast %mul3A_879 : i32 to index
      %get3A_883 = tpu.vector_load %arg9[%get3A_881, %get3A_882] {strides = array<i32>} : memref<32x128xf32, #tpu.memory_space<vmem>>, vector<16xf32>,
      %mul3A_884 = arith.constant 16 : i32
      %mul3A_885 = arith.muli %select_n3A_48, %mul3A_884 : i32
      %get3A_886 = arith.constant 25 : i32
      %get3A_887 = arith.index_cast %get3A_886 : i32 to index
      %get3A_888 = arith.index_cast %mul3A_885 : i32 to index
      %get3A_889 = tpu.vector_load %arg9[%get3A_887, %get3A_888] {strides = array<i32>} : memref<32x128xf32, #tpu.memory_space<vmem>>, vector<16xf32>,
      %mul3A_890 = arith.mulf %gather3A_873, %get3A_883 : vector<16xf32>
      %mul3A_891 = arith.mulf %gather3A_877, %get3A_889 : vector<16xf32>
      %sub3A_892 = arith.subf %mul3A_890, %mul3A_891 : vector<16xf32>
      %mul3A_893 = arith.constant 16 : i32
      %mul3A_894 = arith.muli %select_n3A_48, %mul3A_893 : i32
      %swap3A_895 = arith.constant 9 : i32
      %swap3A_896 = arith.index_cast %select_n3A : i32 to index
      %swap3A_897 = arith.index_cast %swap3A_895 : i32 to index
      %swap3A_898 = arith.index_cast %mul3A_894 : i32 to index
      %swap3A_899 = tpu.vector_load %arg8[%swap3A_896, %swap3A_897, %swap3A_898] {strides = array<i32>} : memref<4x32x128xf32, #tpu.memory_space<vmem>>, vector<16xf32>,
      tpu.vector_store %arg8[%swap3A_896, %swap3A_897, %swap3A_898], %sub3A_892 {strides = array<i32>} : memref<4x32x128xf32, #tpu.memory_space<vmem>>, vector<16xf32>,
      %mul3A_900 = arith.mulf %gather3A_873, %get3A_889 : vector<16xf32>
      %mul3A_901 = arith.mulf %gather3A_877, %get3A_883 : vector<16xf32>
      %add3A_902 = arith.addf %mul3A_900, %mul3A_901 : vector<16xf32>
      %mul3A_903 = arith.constant 16 : i32
      %mul3A_904 = arith.muli %select_n3A_48, %mul3A_903 : i32
      %swap3A_905 = arith.constant 25 : i32
      %swap3A_906 = arith.index_cast %select_n3A : i32 to index
      %swap3A_907 = arith.index_cast %swap3A_905 : i32 to index
      %swap3A_908 = arith.index_cast %mul3A_904 : i32 to index
      %swap3A_909 = tpu.vector_load %arg8[%swap3A_906, %swap3A_907, %swap3A_908] {strides = array<i32>} : memref<4x32x128xf32, #tpu.memory_space<vmem>>, vector<16xf32>,
      tpu.vector_store %arg8[%swap3A_906, %swap3A_907, %swap3A_908], %add3A_902 {strides = array<i32>} : memref<4x32x128xf32, #tpu.memory_space<vmem>>, vector<16xf32>,
      %broadcast_in_dim3A_910 = arith.constant 10 : i32
      %broadcast_in_dim3A_911 = vector.broadcast %broadcast_in_dim3A_910 : i32 to vector<16xi32>
      %gather3A_912 = tpu.vector_load_idx %arg7[%iota3A, %broadcast_in_dim3A_911, %and3A_62] : memref<16x32x128xf32, #tpu.memory_space<vmem>>[vector<16xi32>, vector<16xi32>, vector<16xi32>], vector<16xf32>,
      %add3A_913 = arith.constant 16 : i32
      %add3A_914 = vector.broadcast %add3A_913 : i32 to vector<16xi32>
      %add3A_915 = arith.addi %broadcast_in_dim3A_911, %add3A_914 : vector<16xi32>
      %gather3A_916 = tpu.vector_load_idx %arg7[%iota3A, %add3A_915, %and3A_62] : memref<16x32x128xf32, #tpu.memory_space<vmem>>[vector<16xi32>, vector<16xi32>, vector<16xi32>], vector<16xf32>,
      %mul3A_917 = arith.constant 16 : i32
      %mul3A_918 = arith.muli %select_n3A_48, %mul3A_917 : i32
      %get3A_919 = arith.constant 10 : i32
      %get3A_920 = arith.index_cast %get3A_919 : i32 to index
      %get3A_921 = arith.index_cast %mul3A_918 : i32 to index
      %get3A_922 = tpu.vector_load %arg9[%get3A_920, %get3A_921] {strides = array<i32>} : memref<32x128xf32, #tpu.memory_space<vmem>>, vector<16xf32>,
      %mul3A_923 = arith.constant 16 : i32
      %mul3A_924 = arith.muli %select_n3A_48, %mul3A_923 : i32
      %get3A_925 = arith.constant 26 : i32
      %get3A_926 = arith.index_cast %get3A_925 : i32 to index
      %get3A_927 = arith.index_cast %mul3A_924 : i32 to index
      %get3A_928 = tpu.vector_load %arg9[%get3A_926, %get3A_927] {strides = array<i32>} : memref<32x128xf32, #tpu.memory_space<vmem>>, vector<16xf32>,
      %mul3A_929 = arith.mulf %gather3A_912, %get3A_922 : vector<16xf32>
      %mul3A_930 = arith.mulf %gather3A_916, %get3A_928 : vector<16xf32>
      %sub3A_931 = arith.subf %mul3A_929, %mul3A_930 : vector<16xf32>
      %mul3A_932 = arith.constant 16 : i32
      %mul3A_933 = arith.muli %select_n3A_48, %mul3A_932 : i32
      %swap3A_934 = arith.constant 10 : i32
      %swap3A_935 = arith.index_cast %select_n3A : i32 to index
      %swap3A_936 = arith.index_cast %swap3A_934 : i32 to index
      %swap3A_937 = arith.index_cast %mul3A_933 : i32 to index
      %swap3A_938 = tpu.vector_load %arg8[%swap3A_935, %swap3A_936, %swap3A_937] {strides = array<i32>} : memref<4x32x128xf32, #tpu.memory_space<vmem>>, vector<16xf32>,
      tpu.vector_store %arg8[%swap3A_935, %swap3A_936, %swap3A_937], %sub3A_931 {strides = array<i32>} : memref<4x32x128xf32, #tpu.memory_space<vmem>>, vector<16xf32>,
      %mul3A_939 = arith.mulf %gather3A_912, %get3A_928 : vector<16xf32>
      %mul3A_940 = arith.mulf %gather3A_916, %get3A_922 : vector<16xf32>
      %add3A_941 = arith.addf %mul3A_939, %mul3A_940 : vector<16xf32>
      %mul3A_942 = arith.constant 16 : i32
      %mul3A_943 = arith.muli %select_n3A_48, %mul3A_942 : i32
      %swap3A_944 = arith.constant 26 : i32
      %swap3A_945 = arith.index_cast %select_n3A : i32 to index
      %swap3A_946 = arith.index_cast %swap3A_944 : i32 to index
      %swap3A_947 = arith.index_cast %mul3A_943 : i32 to index
      %swap3A_948 = tpu.vector_load %arg8[%swap3A_945, %swap3A_946, %swap3A_947] {strides = array<i32>} : memref<4x32x128xf32, #tpu.memory_space<vmem>>, vector<16xf32>,
      tpu.vector_store %arg8[%swap3A_945, %swap3A_946, %swap3A_947], %add3A_941 {strides = array<i32>} : memref<4x32x128xf32, #tpu.memory_space<vmem>>, vector<16xf32>,
      %broadcast_in_dim3A_949 = arith.constant 11 : i32
      %broadcast_in_dim3A_950 = vector.broadcast %broadcast_in_dim3A_949 : i32 to vector<16xi32>
      %gather3A_951 = tpu.vector_load_idx %arg7[%iota3A, %broadcast_in_dim3A_950, %and3A_62] : memref<16x32x128xf32, #tpu.memory_space<vmem>>[vector<16xi32>, vector<16xi32>, vector<16xi32>], vector<16xf32>,
      %add3A_952 = arith.constant 16 : i32
      %add3A_953 = vector.broadcast %add3A_952 : i32 to vector<16xi32>
      %add3A_954 = arith.addi %broadcast_in_dim3A_950, %add3A_953 : vector<16xi32>
      %gather3A_955 = tpu.vector_load_idx %arg7[%iota3A, %add3A_954, %and3A_62] : memref<16x32x128xf32, #tpu.memory_space<vmem>>[vector<16xi32>, vector<16xi32>, vector<16xi32>], vector<16xf32>,
      %mul3A_956 = arith.constant 16 : i32
      %mul3A_957 = arith.muli %select_n3A_48, %mul3A_956 : i32
      %get3A_958 = arith.constant 11 : i32
      %get3A_959 = arith.index_cast %get3A_958 : i32 to index
      %get3A_960 = arith.index_cast %mul3A_957 : i32 to index
      %get3A_961 = tpu.vector_load %arg9[%get3A_959, %get3A_960] {strides = array<i32>} : memref<32x128xf32, #tpu.memory_space<vmem>>, vector<16xf32>,
      %mul3A_962 = arith.constant 16 : i32
      %mul3A_963 = arith.muli %select_n3A_48, %mul3A_962 : i32
      %get3A_964 = arith.constant 27 : i32
      %get3A_965 = arith.index_cast %get3A_964 : i32 to index
      %get3A_966 = arith.index_cast %mul3A_963 : i32 to index
      %get3A_967 = tpu.vector_load %arg9[%get3A_965, %get3A_966] {strides = array<i32>} : memref<32x128xf32, #tpu.memory_space<vmem>>, vector<16xf32>,
      %mul3A_968 = arith.mulf %gather3A_951, %get3A_961 : vector<16xf32>
      %mul3A_969 = arith.mulf %gather3A_955, %get3A_967 : vector<16xf32>
      %sub3A_970 = arith.subf %mul3A_968, %mul3A_969 : vector<16xf32>
      %mul3A_971 = arith.constant 16 : i32
      %mul3A_972 = arith.muli %select_n3A_48, %mul3A_971 : i32
      %swap3A_973 = arith.constant 11 : i32
      %swap3A_974 = arith.index_cast %select_n3A : i32 to index
      %swap3A_975 = arith.index_cast %swap3A_973 : i32 to index
      %swap3A_976 = arith.index_cast %mul3A_972 : i32 to index
      %swap3A_977 = tpu.vector_load %arg8[%swap3A_974, %swap3A_975, %swap3A_976] {strides = array<i32>} : memref<4x32x128xf32, #tpu.memory_space<vmem>>, vector<16xf32>,
      tpu.vector_store %arg8[%swap3A_974, %swap3A_975, %swap3A_976], %sub3A_970 {strides = array<i32>} : memref<4x32x128xf32, #tpu.memory_space<vmem>>, vector<16xf32>,
      %mul3A_978 = arith.mulf %gather3A_951, %get3A_967 : vector<16xf32>
      %mul3A_979 = arith.mulf %gather3A_955, %get3A_961 : vector<16xf32>
      %add3A_980 = arith.addf %mul3A_978, %mul3A_979 : vector<16xf32>
      %mul3A_981 = arith.constant 16 : i32
      %mul3A_982 = arith.muli %select_n3A_48, %mul3A_981 : i32
      %swap3A_983 = arith.constant 27 : i32
      %swap3A_984 = arith.index_cast %select_n3A : i32 to index
      %swap3A_985 = arith.index_cast %swap3A_983 : i32 to index
      %swap3A_986 = arith.index_cast %mul3A_982 : i32 to index
      %swap3A_987 = tpu.vector_load %arg8[%swap3A_984, %swap3A_985, %swap3A_986] {strides = array<i32>} : memref<4x32x128xf32, #tpu.memory_space<vmem>>, vector<16xf32>,
      tpu.vector_store %arg8[%swap3A_984, %swap3A_985, %swap3A_986], %add3A_980 {strides = array<i32>} : memref<4x32x128xf32, #tpu.memory_space<vmem>>, vector<16xf32>,
      %broadcast_in_dim3A_988 = arith.constant 12 : i32
      %broadcast_in_dim3A_989 = vector.broadcast %broadcast_in_dim3A_988 : i32 to vector<16xi32>
      %gather3A_990 = tpu.vector_load_idx %arg7[%iota3A, %broadcast_in_dim3A_989, %and3A_62] : memref<16x32x128xf32, #tpu.memory_space<vmem>>[vector<16xi32>, vector<16xi32>, vector<16xi32>], vector<16xf32>,
      %add3A_991 = arith.constant 16 : i32
      %add3A_992 = vector.broadcast %add3A_991 : i32 to vector<16xi32>
      %add3A_993 = arith.addi %broadcast_in_dim3A_989, %add3A_992 : vector<16xi32>
      %gather3A_994 = tpu.vector_load_idx %arg7[%iota3A, %add3A_993, %and3A_62] : memref<16x32x128xf32, #tpu.memory_space<vmem>>[vector<16xi32>, vector<16xi32>, vector<16xi32>], vector<16xf32>,
      %mul3A_995 = arith.constant 16 : i32
      %mul3A_996 = arith.muli %select_n3A_48, %mul3A_995 : i32
      %get3A_997 = arith.constant 12 : i32
      %get3A_998 = arith.index_cast %get3A_997 : i32 to index
      %get3A_999 = arith.index_cast %mul3A_996 : i32 to index
      %get3A_1000 = tpu.vector_load %arg9[%get3A_998, %get3A_999] {strides = array<i32>} : memref<32x128xf32, #tpu.memory_space<vmem>>, vector<16xf32>,
      %mul3A_1001 = arith.constant 16 : i32
      %mul3A_1002 = arith.muli %select_n3A_48, %mul3A_1001 : i32
      %get3A_1003 = arith.constant 28 : i32
      %get3A_1004 = arith.index_cast %get3A_1003 : i32 to index
      %get3A_1005 = arith.index_cast %mul3A_1002 : i32 to index
      %get3A_1006 = tpu.vector_load %arg9[%get3A_1004, %get3A_1005] {strides = array<i32>} : memref<32x128xf32, #tpu.memory_space<vmem>>, vector<16xf32>,
      %mul3A_1007 = arith.mulf %gather3A_990, %get3A_1000 : vector<16xf32>
      %mul3A_1008 = arith.mulf %gather3A_994, %get3A_1006 : vector<16xf32>
      %sub3A_1009 = arith.subf %mul3A_1007, %mul3A_1008 : vector<16xf32>
      %mul3A_1010 = arith.constant 16 : i32
      %mul3A_1011 = arith.muli %select_n3A_48, %mul3A_1010 : i32
      %swap3A_1012 = arith.constant 12 : i32
      %swap3A_1013 = arith.index_cast %select_n3A : i32 to index
      %swap3A_1014 = arith.index_cast %swap3A_1012 : i32 to index
      %swap3A_1015 = arith.index_cast %mul3A_1011 : i32 to index
      %swap3A_1016 = tpu.vector_load %arg8[%swap3A_1013, %swap3A_1014, %swap3A_1015] {strides = array<i32>} : memref<4x32x128xf32, #tpu.memory_space<vmem>>, vector<16xf32>,
      tpu.vector_store %arg8[%swap3A_1013, %swap3A_1014, %swap3A_1015], %sub3A_1009 {strides = array<i32>} : memref<4x32x128xf32, #tpu.memory_space<vmem>>, vector<16xf32>,
      %mul3A_1017 = arith.mulf %gather3A_990, %get3A_1006 : vector<16xf32>
      %mul3A_1018 = arith.mulf %gather3A_994, %get3A_1000 : vector<16xf32>
      %add3A_1019 = arith.addf %mul3A_1017, %mul3A_1018 : vector<16xf32>
      %mul3A_1020 = arith.constant 16 : i32
      %mul3A_1021 = arith.muli %select_n3A_48, %mul3A_1020 : i32
      %swap3A_1022 = arith.constant 28 : i32
      %swap3A_1023 = arith.index_cast %select_n3A : i32 to index
      %swap3A_1024 = arith.index_cast %swap3A_1022 : i32 to index
      %swap3A_1025 = arith.index_cast %mul3A_1021 : i32 to index
      %swap3A_1026 = tpu.vector_load %arg8[%swap3A_1023, %swap3A_1024, %swap3A_1025] {strides = array<i32>} : memref<4x32x128xf32, #tpu.memory_space<vmem>>, vector<16xf32>,
      tpu.vector_store %arg8[%swap3A_1023, %swap3A_1024, %swap3A_1025], %add3A_1019 {strides = array<i32>} : memref<4x32x128xf32, #tpu.memory_space<vmem>>, vector<16xf32>,
      %broadcast_in_dim3A_1027 = arith.constant 13 : i32
      %broadcast_in_dim3A_1028 = vector.broadcast %broadcast_in_dim3A_1027 : i32 to vector<16xi32>
      %gather3A_1029 = tpu.vector_load_idx %arg7[%iota3A, %broadcast_in_dim3A_1028, %and3A_62] : memref<16x32x128xf32, #tpu.memory_space<vmem>>[vector<16xi32>, vector<16xi32>, vector<16xi32>], vector<16xf32>,
      %add3A_1030 = arith.constant 16 : i32
      %add3A_1031 = vector.broadcast %add3A_1030 : i32 to vector<16xi32>
      %add3A_1032 = arith.addi %broadcast_in_dim3A_1028, %add3A_1031 : vector<16xi32>
      %gather3A_1033 = tpu.vector_load_idx %arg7[%iota3A, %add3A_1032, %and3A_62] : memref<16x32x128xf32, #tpu.memory_space<vmem>>[vector<16xi32>, vector<16xi32>, vector<16xi32>], vector<16xf32>,
      %mul3A_1034 = arith.constant 16 : i32
      %mul3A_1035 = arith.muli %select_n3A_48, %mul3A_1034 : i32
      %get3A_1036 = arith.constant 13 : i32
      %get3A_1037 = arith.index_cast %get3A_1036 : i32 to index
      %get3A_1038 = arith.index_cast %mul3A_1035 : i32 to index
      %get3A_1039 = tpu.vector_load %arg9[%get3A_1037, %get3A_1038] {strides = array<i32>} : memref<32x128xf32, #tpu.memory_space<vmem>>, vector<16xf32>,
      %mul3A_1040 = arith.constant 16 : i32
      %mul3A_1041 = arith.muli %select_n3A_48, %mul3A_1040 : i32
      %get3A_1042 = arith.constant 29 : i32
      %get3A_1043 = arith.index_cast %get3A_1042 : i32 to index
      %get3A_1044 = arith.index_cast %mul3A_1041 : i32 to index
      %get3A_1045 = tpu.vector_load %arg9[%get3A_1043, %get3A_1044] {strides = array<i32>} : memref<32x128xf32, #tpu.memory_space<vmem>>, vector<16xf32>,
      %mul3A_1046 = arith.mulf %gather3A_1029, %get3A_1039 : vector<16xf32>
      %mul3A_1047 = arith.mulf %gather3A_1033, %get3A_1045 : vector<16xf32>
      %sub3A_1048 = arith.subf %mul3A_1046, %mul3A_1047 : vector<16xf32>
      %mul3A_1049 = arith.constant 16 : i32
      %mul3A_1050 = arith.muli %select_n3A_48, %mul3A_1049 : i32
      %swap3A_1051 = arith.constant 13 : i32
      %swap3A_1052 = arith.index_cast %select_n3A : i32 to index
      %swap3A_1053 = arith.index_cast %swap3A_1051 : i32 to index
      %swap3A_1054 = arith.index_cast %mul3A_1050 : i32 to index
      %swap3A_1055 = tpu.vector_load %arg8[%swap3A_1052, %swap3A_1053, %swap3A_1054] {strides = array<i32>} : memref<4x32x128xf32, #tpu.memory_space<vmem>>, vector<16xf32>,
      tpu.vector_store %arg8[%swap3A_1052, %swap3A_1053, %swap3A_1054], %sub3A_1048 {strides = array<i32>} : memref<4x32x128xf32, #tpu.memory_space<vmem>>, vector<16xf32>,
      %mul3A_1056 = arith.mulf %gather3A_1029, %get3A_1045 : vector<16xf32>
      %mul3A_1057 = arith.mulf %gather3A_1033, %get3A_1039 : vector<16xf32>
      %add3A_1058 = arith.addf %mul3A_1056, %mul3A_1057 : vector<16xf32>
      %mul3A_1059 = arith.constant 16 : i32
      %mul3A_1060 = arith.muli %select_n3A_48, %mul3A_1059 : i32
      %swap3A_1061 = arith.constant 29 : i32
      %swap3A_1062 = arith.index_cast %select_n3A : i32 to index
      %swap3A_1063 = arith.index_cast %swap3A_1061 : i32 to index
      %swap3A_1064 = arith.index_cast %mul3A_1060 : i32 to index
      %swap3A_1065 = tpu.vector_load %arg8[%swap3A_1062, %swap3A_1063, %swap3A_1064] {strides = array<i32>} : memref<4x32x128xf32, #tpu.memory_space<vmem>>, vector<16xf32>,
      tpu.vector_store %arg8[%swap3A_1062, %swap3A_1063, %swap3A_1064], %add3A_1058 {strides = array<i32>} : memref<4x32x128xf32, #tpu.memory_space<vmem>>, vector<16xf32>,
      %broadcast_in_dim3A_1066 = arith.constant 14 : i32
      %broadcast_in_dim3A_1067 = vector.broadcast %broadcast_in_dim3A_1066 : i32 to vector<16xi32>
      %gather3A_1068 = tpu.vector_load_idx %arg7[%iota3A, %broadcast_in_dim3A_1067, %and3A_62] : memref<16x32x128xf32, #tpu.memory_space<vmem>>[vector<16xi32>, vector<16xi32>, vector<16xi32>], vector<16xf32>,
      %add3A_1069 = arith.constant 16 : i32
      %add3A_1070 = vector.broadcast %add3A_1069 : i32 to vector<16xi32>
      %add3A_1071 = arith.addi %broadcast_in_dim3A_1067, %add3A_1070 : vector<16xi32>
      %gather3A_1072 = tpu.vector_load_idx %arg7[%iota3A, %add3A_1071, %and3A_62] : memref<16x32x128xf32, #tpu.memory_space<vmem>>[vector<16xi32>, vector<16xi32>, vector<16xi32>], vector<16xf32>,
      %mul3A_1073 = arith.constant 16 : i32
      %mul3A_1074 = arith.muli %select_n3A_48, %mul3A_1073 : i32
      %get3A_1075 = arith.constant 14 : i32
      %get3A_1076 = arith.index_cast %get3A_1075 : i32 to index
      %get3A_1077 = arith.index_cast %mul3A_1074 : i32 to index
      %get3A_1078 = tpu.vector_load %arg9[%get3A_1076, %get3A_1077] {strides = array<i32>} : memref<32x128xf32, #tpu.memory_space<vmem>>, vector<16xf32>,
      %mul3A_1079 = arith.constant 16 : i32
      %mul3A_1080 = arith.muli %select_n3A_48, %mul3A_1079 : i32
      %get3A_1081 = arith.constant 30 : i32
      %get3A_1082 = arith.index_cast %get3A_1081 : i32 to index
      %get3A_1083 = arith.index_cast %mul3A_1080 : i32 to index
      %get3A_1084 = tpu.vector_load %arg9[%get3A_1082, %get3A_1083] {strides = array<i32>} : memref<32x128xf32, #tpu.memory_space<vmem>>, vector<16xf32>,
      %mul3A_1085 = arith.mulf %gather3A_1068, %get3A_1078 : vector<16xf32>
      %mul3A_1086 = arith.mulf %gather3A_1072, %get3A_1084 : vector<16xf32>
      %sub3A_1087 = arith.subf %mul3A_1085, %mul3A_1086 : vector<16xf32>
      %mul3A_1088 = arith.constant 16 : i32
      %mul3A_1089 = arith.muli %select_n3A_48, %mul3A_1088 : i32
      %swap3A_1090 = arith.constant 14 : i32
      %swap3A_1091 = arith.index_cast %select_n3A : i32 to index
      %swap3A_1092 = arith.index_cast %swap3A_1090 : i32 to index
      %swap3A_1093 = arith.index_cast %mul3A_1089 : i32 to index
      %swap3A_1094 = tpu.vector_load %arg8[%swap3A_1091, %swap3A_1092, %swap3A_1093] {strides = array<i32>} : memref<4x32x128xf32, #tpu.memory_space<vmem>>, vector<16xf32>,
      tpu.vector_store %arg8[%swap3A_1091, %swap3A_1092, %swap3A_1093], %sub3A_1087 {strides = array<i32>} : memref<4x32x128xf32, #tpu.memory_space<vmem>>, vector<16xf32>,
      %mul3A_1095 = arith.mulf %gather3A_1068, %get3A_1084 : vector<16xf32>
      %mul3A_1096 = arith.mulf %gather3A_1072, %get3A_1078 : vector<16xf32>
      %add3A_1097 = arith.addf %mul3A_1095, %mul3A_1096 : vector<16xf32>
      %mul3A_1098 = arith.constant 16 : i32
      %mul3A_1099 = arith.muli %select_n3A_48, %mul3A_1098 : i32
      %swap3A_1100 = arith.constant 30 : i32
      %swap3A_1101 = arith.index_cast %select_n3A : i32 to index
      %swap3A_1102 = arith.index_cast %swap3A_1100 : i32 to index
      %swap3A_1103 = arith.index_cast %mul3A_1099 : i32 to index
      %swap3A_1104 = tpu.vector_load %arg8[%swap3A_1101, %swap3A_1102, %swap3A_1103] {strides = array<i32>} : memref<4x32x128xf32, #tpu.memory_space<vmem>>, vector<16xf32>,
      tpu.vector_store %arg8[%swap3A_1101, %swap3A_1102, %swap3A_1103], %add3A_1097 {strides = array<i32>} : memref<4x32x128xf32, #tpu.memory_space<vmem>>, vector<16xf32>,
      %broadcast_in_dim3A_1105 = arith.constant 15 : i32
      %broadcast_in_dim3A_1106 = vector.broadcast %broadcast_in_dim3A_1105 : i32 to vector<16xi32>
      %gather3A_1107 = tpu.vector_load_idx %arg7[%iota3A, %broadcast_in_dim3A_1106, %and3A_62] : memref<16x32x128xf32, #tpu.memory_space<vmem>>[vector<16xi32>, vector<16xi32>, vector<16xi32>], vector<16xf32>,
      %add3A_1108 = arith.constant 16 : i32
      %add3A_1109 = vector.broadcast %add3A_1108 : i32 to vector<16xi32>
      %add3A_1110 = arith.addi %broadcast_in_dim3A_1106, %add3A_1109 : vector<16xi32>
      %gather3A_1111 = tpu.vector_load_idx %arg7[%iota3A, %add3A_1110, %and3A_62] : memref<16x32x128xf32, #tpu.memory_space<vmem>>[vector<16xi32>, vector<16xi32>, vector<16xi32>], vector<16xf32>,
      %mul3A_1112 = arith.constant 16 : i32
      %mul3A_1113 = arith.muli %select_n3A_48, %mul3A_1112 : i32
      %get3A_1114 = arith.constant 15 : i32
      %get3A_1115 = arith.index_cast %get3A_1114 : i32 to index
      %get3A_1116 = arith.index_cast %mul3A_1113 : i32 to index
      %get3A_1117 = tpu.vector_load %arg9[%get3A_1115, %get3A_1116] {strides = array<i32>} : memref<32x128xf32, #tpu.memory_space<vmem>>, vector<16xf32>,
      %mul3A_1118 = arith.constant 16 : i32
      %mul3A_1119 = arith.muli %select_n3A_48, %mul3A_1118 : i32
      %get3A_1120 = arith.constant 31 : i32
      %get3A_1121 = arith.index_cast %get3A_1120 : i32 to index
      %get3A_1122 = arith.index_cast %mul3A_1119 : i32 to index
      %get3A_1123 = tpu.vector_load %arg9[%get3A_1121, %get3A_1122] {strides = array<i32>} : memref<32x128xf32, #tpu.memory_space<vmem>>, vector<16xf32>,
      %mul3A_1124 = arith.mulf %gather3A_1107, %get3A_1117 : vector<16xf32>
      %mul3A_1125 = arith.mulf %gather3A_1111, %get3A_1123 : vector<16xf32>
      %sub3A_1126 = arith.subf %mul3A_1124, %mul3A_1125 : vector<16xf32>
      %mul3A_1127 = arith.constant 16 : i32
      %mul3A_1128 = arith.muli %select_n3A_48, %mul3A_1127 : i32
      %swap3A_1129 = arith.constant 15 : i32
      %swap3A_1130 = arith.index_cast %select_n3A : i32 to index
      %swap3A_1131 = arith.index_cast %swap3A_1129 : i32 to index
      %swap3A_1132 = arith.index_cast %mul3A_1128 : i32 to index
      %swap3A_1133 = tpu.vector_load %arg8[%swap3A_1130, %swap3A_1131, %swap3A_1132] {strides = array<i32>} : memref<4x32x128xf32, #tpu.memory_space<vmem>>, vector<16xf32>,
      tpu.vector_store %arg8[%swap3A_1130, %swap3A_1131, %swap3A_1132], %sub3A_1126 {strides = array<i32>} : memref<4x32x128xf32, #tpu.memory_space<vmem>>, vector<16xf32>,
      %mul3A_1134 = arith.mulf %gather3A_1107, %get3A_1123 : vector<16xf32>
      %mul3A_1135 = arith.mulf %gather3A_1111, %get3A_1117 : vector<16xf32>
      %add3A_1136 = arith.addf %mul3A_1134, %mul3A_1135 : vector<16xf32>
      %mul3A_1137 = arith.constant 16 : i32
      %mul3A_1138 = arith.muli %select_n3A_48, %mul3A_1137 : i32
      %swap3A_1139 = arith.constant 31 : i32
      %swap3A_1140 = arith.index_cast %select_n3A : i32 to index
      %swap3A_1141 = arith.index_cast %swap3A_1139 : i32 to index
      %swap3A_1142 = arith.index_cast %mul3A_1138 : i32 to index
      %swap3A_1143 = tpu.vector_load %arg8[%swap3A_1140, %swap3A_1141, %swap3A_1142] {strides = array<i32>} : memref<4x32x128xf32, #tpu.memory_space<vmem>>, vector<16xf32>,
      tpu.vector_store %arg8[%swap3A_1140, %swap3A_1141, %swap3A_1142], %add3A_1136 {strides = array<i32>} : memref<4x32x128xf32, #tpu.memory_space<vmem>>, vector<16xf32>,
    }
    %scan3A_10 = arith.constant 32 : i32
    %run_scoped3A = arith.constant 0 : i32
    %run_scoped3A_11 = arith.constant 0 : i32
    "tpu.region"() ({
      %run_scoped3A_18 = tpu.sem_alloc : memref<!tpu.dma_semaphore, #tpu.memory_space<semaphore_mem>>
      %dma_start3A = arith.constant 0 : i32
      %dma_start3A_19 = arith.constant 0 : i32
      %dma_start3A_20 = tpu.memref_slice %arg8[%run_scoped3A, %dma_start3A, %dma_start3A_19] : memref<4x32x128xf32, #tpu.memory_space<vmem>> -> memref<1x32x128xf32, #tpu.memory_space<vmem>>
      %dma_start3A_21 = tpu.memref_squeeze %dma_start3A_20 : memref<1x32x128xf32, #tpu.memory_space<vmem>> -> memref<32x128xf32, #tpu.memory_space<vmem>>
      %dma_start3A_22 = arith.constant 0 : i32
      %dma_start3A_23 = tpu.memref_slice %arg5[%run_scoped3A_11, %dma_start3A_22, %mul3A_2] : memref<4x32x4096xf32, #tpu.memory_space<hbm>> -> memref<1x32x128xf32, #tpu.memory_space<hbm>>
      %dma_start3A_24 = tpu.memref_squeeze %dma_start3A_23 : memref<1x32x128xf32, #tpu.memory_space<hbm>> -> memref<32x128xf32, #tpu.memory_space<hbm>>
      %dma_start3A_25 = arith.constant 0 : i32
      %dma_start3A_26 = tpu.memref_slice %arg5[%run_scoped3A_11, %dma_start3A_25, %mul3A_2] : memref<4x32x4096xf32, #tpu.memory_space<hbm>> -> memref<1x32x128xf32, #tpu.memory_space<hbm>>
      %dma_start3A_27 = tpu.memref_squeeze %dma_start3A_26 : memref<1x32x128xf32, #tpu.memory_space<hbm>> -> memref<32x128xf32, #tpu.memory_space<hbm>>
      %dma_start3A_28 = arith.constant 0 : i32
      %dma_start3A_29 = arith.constant 0 : i32
      %dma_start3A_30 = tpu.memref_slice %arg8[%run_scoped3A, %dma_start3A_28, %dma_start3A_29] : memref<4x32x128xf32, #tpu.memory_space<vmem>> -> memref<1x32x128xf32, #tpu.memory_space<vmem>>
      %dma_start3A_31 = tpu.memref_squeeze %dma_start3A_30 : memref<1x32x128xf32, #tpu.memory_space<vmem>> -> memref<32x128xf32, #tpu.memory_space<vmem>>
      tpu.enqueue_dma source(%dma_start3A_31 : memref<32x128xf32, #tpu.memory_space<vmem>>) target(%dma_start3A_27 : memref<32x128xf32, #tpu.memory_space<hbm>>) target_semaphore(%run_scoped3A_18 : memref<!tpu.dma_semaphore, #tpu.memory_space<semaphore_mem>>)
      %dma_wait3A = arith.constant 0 : i32
      %dma_wait3A_32 = arith.constant 0 : i32
      %dma_wait3A_33 = tpu.memref_slice %arg8[%run_scoped3A, %dma_wait3A, %dma_wait3A_32] : memref<4x32x128xf32, #tpu.memory_space<vmem>> -> memref<1x32x128xf32, #tpu.memory_space<vmem>>
      %dma_wait3A_34 = tpu.memref_squeeze %dma_wait3A_33 : memref<1x32x128xf32, #tpu.memory_space<vmem>> -> memref<32x128xf32, #tpu.memory_space<vmem>>
      %dma_wait3A_35 = arith.constant 0 : i32
      %dma_wait3A_36 = tpu.memref_slice %arg5[%run_scoped3A_11, %dma_wait3A_35, %mul3A_2] : memref<4x32x4096xf32, #tpu.memory_space<hbm>> -> memref<1x32x128xf32, #tpu.memory_space<hbm>>
      %dma_wait3A_37 = tpu.memref_squeeze %dma_wait3A_36 : memref<1x32x128xf32, #tpu.memory_space<hbm>> -> memref<32x128xf32, #tpu.memory_space<hbm>>
      %dma_wait3A_38 = arith.constant 0 : i32
      %dma_wait3A_39 = tpu.memref_slice %arg5[%run_scoped3A_11, %dma_wait3A_38, %mul3A_2] : memref<4x32x4096xf32, #tpu.memory_space<hbm>> -> memref<1x32x128xf32, #tpu.memory_space<hbm>>
      %dma_wait3A_40 = tpu.memref_squeeze %dma_wait3A_39 : memref<1x32x128xf32, #tpu.memory_space<hbm>> -> memref<32x128xf32, #tpu.memory_space<hbm>>
      %dma_wait3A_41 = arith.constant 0 : i32
      %dma_wait3A_42 = arith.constant 0 : i32
      %dma_wait3A_43 = tpu.memref_slice %arg8[%run_scoped3A, %dma_wait3A_41, %dma_wait3A_42] : memref<4x32x128xf32, #tpu.memory_space<vmem>> -> memref<1x32x128xf32, #tpu.memory_space<vmem>>
      %dma_wait3A_44 = tpu.memref_squeeze %dma_wait3A_43 : memref<1x32x128xf32, #tpu.memory_space<vmem>> -> memref<32x128xf32, #tpu.memory_space<vmem>>
      tpu.wait_dma2 semaphore(%run_scoped3A_18 : memref<!tpu.dma_semaphore, #tpu.memory_space<semaphore_mem>>) src(%dma_wait3A_44 : memref<32x128xf32, #tpu.memory_space<vmem>>) dst(%dma_wait3A_40 : memref<32x128xf32, #tpu.memory_space<hbm>>)
      tpu.yield
    }) : () -> ()
    %run_scoped3A_12 = arith.constant 1 : i32
    %run_scoped3A_13 = arith.constant 1 : i32
    "tpu.region"() ({
      %run_scoped3A_18 = tpu.sem_alloc : memref<!tpu.dma_semaphore, #tpu.memory_space<semaphore_mem>>
      %dma_start3A = arith.constant 0 : i32
      %dma_start3A_19 = arith.constant 0 : i32
      %dma_start3A_20 = tpu.memref_slice %arg8[%run_scoped3A_12, %dma_start3A, %dma_start3A_19] : memref<4x32x128xf32, #tpu.memory_space<vmem>> -> memref<1x32x128xf32, #tpu.memory_space<vmem>>
      %dma_start3A_21 = tpu.memref_squeeze %dma_start3A_20 : memref<1x32x128xf32, #tpu.memory_space<vmem>> -> memref<32x128xf32, #tpu.memory_space<vmem>>
      %dma_start3A_22 = arith.constant 0 : i32
      %dma_start3A_23 = tpu.memref_slice %arg5[%run_scoped3A_13, %dma_start3A_22, %mul3A_2] : memref<4x32x4096xf32, #tpu.memory_space<hbm>> -> memref<1x32x128xf32, #tpu.memory_space<hbm>>
      %dma_start3A_24 = tpu.memref_squeeze %dma_start3A_23 : memref<1x32x128xf32, #tpu.memory_space<hbm>> -> memref<32x128xf32, #tpu.memory_space<hbm>>
      %dma_start3A_25 = arith.constant 0 : i32
      %dma_start3A_26 = tpu.memref_slice %arg5[%run_scoped3A_13, %dma_start3A_25, %mul3A_2] : memref<4x32x4096xf32, #tpu.memory_space<hbm>> -> memref<1x32x128xf32, #tpu.memory_space<hbm>>
      %dma_start3A_27 = tpu.memref_squeeze %dma_start3A_26 : memref<1x32x128xf32, #tpu.memory_space<hbm>> -> memref<32x128xf32, #tpu.memory_space<hbm>>
      %dma_start3A_28 = arith.constant 0 : i32
      %dma_start3A_29 = arith.constant 0 : i32
      %dma_start3A_30 = tpu.memref_slice %arg8[%run_scoped3A_12, %dma_start3A_28, %dma_start3A_29] : memref<4x32x128xf32, #tpu.memory_space<vmem>> -> memref<1x32x128xf32, #tpu.memory_space<vmem>>
      %dma_start3A_31 = tpu.memref_squeeze %dma_start3A_30 : memref<1x32x128xf32, #tpu.memory_space<vmem>> -> memref<32x128xf32, #tpu.memory_space<vmem>>
      tpu.enqueue_dma source(%dma_start3A_31 : memref<32x128xf32, #tpu.memory_space<vmem>>) target(%dma_start3A_27 : memref<32x128xf32, #tpu.memory_space<hbm>>) target_semaphore(%run_scoped3A_18 : memref<!tpu.dma_semaphore, #tpu.memory_space<semaphore_mem>>)
      %dma_wait3A = arith.constant 0 : i32
      %dma_wait3A_32 = arith.constant 0 : i32
      %dma_wait3A_33 = tpu.memref_slice %arg8[%run_scoped3A_12, %dma_wait3A, %dma_wait3A_32] : memref<4x32x128xf32, #tpu.memory_space<vmem>> -> memref<1x32x128xf32, #tpu.memory_space<vmem>>
      %dma_wait3A_34 = tpu.memref_squeeze %dma_wait3A_33 : memref<1x32x128xf32, #tpu.memory_space<vmem>> -> memref<32x128xf32, #tpu.memory_space<vmem>>
      %dma_wait3A_35 = arith.constant 0 : i32
      %dma_wait3A_36 = tpu.memref_slice %arg5[%run_scoped3A_13, %dma_wait3A_35, %mul3A_2] : memref<4x32x4096xf32, #tpu.memory_space<hbm>> -> memref<1x32x128xf32, #tpu.memory_space<hbm>>
      %dma_wait3A_37 = tpu.memref_squeeze %dma_wait3A_36 : memref<1x32x128xf32, #tpu.memory_space<hbm>> -> memref<32x128xf32, #tpu.memory_space<hbm>>
      %dma_wait3A_38 = arith.constant 0 : i32
      %dma_wait3A_39 = tpu.memref_slice %arg5[%run_scoped3A_13, %dma_wait3A_38, %mul3A_2] : memref<4x32x4096xf32, #tpu.memory_space<hbm>> -> memref<1x32x128xf32, #tpu.memory_space<hbm>>
      %dma_wait3A_40 = tpu.memref_squeeze %dma_wait3A_39 : memref<1x32x128xf32, #tpu.memory_space<hbm>> -> memref<32x128xf32, #tpu.memory_space<hbm>>
      %dma_wait3A_41 = arith.constant 0 : i32
      %dma_wait3A_42 = arith.constant 0 : i32
      %dma_wait3A_43 = tpu.memref_slice %arg8[%run_scoped3A_12, %dma_wait3A_41, %dma_wait3A_42] : memref<4x32x128xf32, #tpu.memory_space<vmem>> -> memref<1x32x128xf32, #tpu.memory_space<vmem>>
      %dma_wait3A_44 = tpu.memref_squeeze %dma_wait3A_43 : memref<1x32x128xf32, #tpu.memory_space<vmem>> -> memref<32x128xf32, #tpu.memory_space<vmem>>
      tpu.wait_dma2 semaphore(%run_scoped3A_18 : memref<!tpu.dma_semaphore, #tpu.memory_space<semaphore_mem>>) src(%dma_wait3A_44 : memref<32x128xf32, #tpu.memory_space<vmem>>) dst(%dma_wait3A_40 : memref<32x128xf32, #tpu.memory_space<hbm>>)
      tpu.yield
    }) : () -> ()
    %run_scoped3A_14 = arith.constant 2 : i32
    %run_scoped3A_15 = arith.constant 2 : i32
    "tpu.region"() ({
      %run_scoped3A_18 = tpu.sem_alloc : memref<!tpu.dma_semaphore, #tpu.memory_space<semaphore_mem>>
      %dma_start3A = arith.constant 0 : i32
      %dma_start3A_19 = arith.constant 0 : i32
      %dma_start3A_20 = tpu.memref_slice %arg8[%run_scoped3A_14, %dma_start3A, %dma_start3A_19] : memref<4x32x128xf32, #tpu.memory_space<vmem>> -> memref<1x32x128xf32, #tpu.memory_space<vmem>>
      %dma_start3A_21 = tpu.memref_squeeze %dma_start3A_20 : memref<1x32x128xf32, #tpu.memory_space<vmem>> -> memref<32x128xf32, #tpu.memory_space<vmem>>
      %dma_start3A_22 = arith.constant 0 : i32
      %dma_start3A_23 = tpu.memref_slice %arg5[%run_scoped3A_15, %dma_start3A_22, %mul3A_2] : memref<4x32x4096xf32, #tpu.memory_space<hbm>> -> memref<1x32x128xf32, #tpu.memory_space<hbm>>
      %dma_start3A_24 = tpu.memref_squeeze %dma_start3A_23 : memref<1x32x128xf32, #tpu.memory_space<hbm>> -> memref<32x128xf32, #tpu.memory_space<hbm>>
      %dma_start3A_25 = arith.constant 0 : i32
      %dma_start3A_26 = tpu.memref_slice %arg5[%run_scoped3A_15, %dma_start3A_25, %mul3A_2] : memref<4x32x4096xf32, #tpu.memory_space<hbm>> -> memref<1x32x128xf32, #tpu.memory_space<hbm>>
      %dma_start3A_27 = tpu.memref_squeeze %dma_start3A_26 : memref<1x32x128xf32, #tpu.memory_space<hbm>> -> memref<32x128xf32, #tpu.memory_space<hbm>>
      %dma_start3A_28 = arith.constant 0 : i32
      %dma_start3A_29 = arith.constant 0 : i32
      %dma_start3A_30 = tpu.memref_slice %arg8[%run_scoped3A_14, %dma_start3A_28, %dma_start3A_29] : memref<4x32x128xf32, #tpu.memory_space<vmem>> -> memref<1x32x128xf32, #tpu.memory_space<vmem>>
      %dma_start3A_31 = tpu.memref_squeeze %dma_start3A_30 : memref<1x32x128xf32, #tpu.memory_space<vmem>> -> memref<32x128xf32, #tpu.memory_space<vmem>>
      tpu.enqueue_dma source(%dma_start3A_31 : memref<32x128xf32, #tpu.memory_space<vmem>>) target(%dma_start3A_27 : memref<32x128xf32, #tpu.memory_space<hbm>>) target_semaphore(%run_scoped3A_18 : memref<!tpu.dma_semaphore, #tpu.memory_space<semaphore_mem>>)
      %dma_wait3A = arith.constant 0 : i32
      %dma_wait3A_32 = arith.constant 0 : i32
      %dma_wait3A_33 = tpu.memref_slice %arg8[%run_scoped3A_14, %dma_wait3A, %dma_wait3A_32] : memref<4x32x128xf32, #tpu.memory_space<vmem>> -> memref<1x32x128xf32, #tpu.memory_space<vmem>>
      %dma_wait3A_34 = tpu.memref_squeeze %dma_wait3A_33 : memref<1x32x128xf32, #tpu.memory_space<vmem>> -> memref<32x128xf32, #tpu.memory_space<vmem>>
      %dma_wait3A_35 = arith.constant 0 : i32
      %dma_wait3A_36 = tpu.memref_slice %arg5[%run_scoped3A_15, %dma_wait3A_35, %mul3A_2] : memref<4x32x4096xf32, #tpu.memory_space<hbm>> -> memref<1x32x128xf32, #tpu.memory_space<hbm>>
      %dma_wait3A_37 = tpu.memref_squeeze %dma_wait3A_36 : memref<1x32x128xf32, #tpu.memory_space<hbm>> -> memref<32x128xf32, #tpu.memory_space<hbm>>
      %dma_wait3A_38 = arith.constant 0 : i32
      %dma_wait3A_39 = tpu.memref_slice %arg5[%run_scoped3A_15, %dma_wait3A_38, %mul3A_2] : memref<4x32x4096xf32, #tpu.memory_space<hbm>> -> memref<1x32x128xf32, #tpu.memory_space<hbm>>
      %dma_wait3A_40 = tpu.memref_squeeze %dma_wait3A_39 : memref<1x32x128xf32, #tpu.memory_space<hbm>> -> memref<32x128xf32, #tpu.memory_space<hbm>>
      %dma_wait3A_41 = arith.constant 0 : i32
      %dma_wait3A_42 = arith.constant 0 : i32
      %dma_wait3A_43 = tpu.memref_slice %arg8[%run_scoped3A_14, %dma_wait3A_41, %dma_wait3A_42] : memref<4x32x128xf32, #tpu.memory_space<vmem>> -> memref<1x32x128xf32, #tpu.memory_space<vmem>>
      %dma_wait3A_44 = tpu.memref_squeeze %dma_wait3A_43 : memref<1x32x128xf32, #tpu.memory_space<vmem>> -> memref<32x128xf32, #tpu.memory_space<vmem>>
      tpu.wait_dma2 semaphore(%run_scoped3A_18 : memref<!tpu.dma_semaphore, #tpu.memory_space<semaphore_mem>>) src(%dma_wait3A_44 : memref<32x128xf32, #tpu.memory_space<vmem>>) dst(%dma_wait3A_40 : memref<32x128xf32, #tpu.memory_space<hbm>>)
      tpu.yield
    }) : () -> ()
    %run_scoped3A_16 = arith.constant 3 : i32
    %run_scoped3A_17 = arith.constant 3 : i32
    "tpu.region"() ({
      %run_scoped3A_18 = tpu.sem_alloc : memref<!tpu.dma_semaphore, #tpu.memory_space<semaphore_mem>>
      %dma_start3A = arith.constant 0 : i32
      %dma_start3A_19 = arith.constant 0 : i32
      %dma_start3A_20 = tpu.memref_slice %arg8[%run_scoped3A_16, %dma_start3A, %dma_start3A_19] : memref<4x32x128xf32, #tpu.memory_space<vmem>> -> memref<1x32x128xf32, #tpu.memory_space<vmem>>
      %dma_start3A_21 = tpu.memref_squeeze %dma_start3A_20 : memref<1x32x128xf32, #tpu.memory_space<vmem>> -> memref<32x128xf32, #tpu.memory_space<vmem>>
      %dma_start3A_22 = arith.constant 0 : i32
      %dma_start3A_23 = tpu.memref_slice %arg5[%run_scoped3A_17, %dma_start3A_22, %mul3A_2] : memref<4x32x4096xf32, #tpu.memory_space<hbm>> -> memref<1x32x128xf32, #tpu.memory_space<hbm>>
      %dma_start3A_24 = tpu.memref_squeeze %dma_start3A_23 : memref<1x32x128xf32, #tpu.memory_space<hbm>> -> memref<32x128xf32, #tpu.memory_space<hbm>>
      %dma_start3A_25 = arith.constant 0 : i32
      %dma_start3A_26 = tpu.memref_slice %arg5[%run_scoped3A_17, %dma_start3A_25, %mul3A_2] : memref<4x32x4096xf32, #tpu.memory_space<hbm>> -> memref<1x32x128xf32, #tpu.memory_space<hbm>>
      %dma_start3A_27 = tpu.memref_squeeze %dma_start3A_26 : memref<1x32x128xf32, #tpu.memory_space<hbm>> -> memref<32x128xf32, #tpu.memory_space<hbm>>
      %dma_start3A_28 = arith.constant 0 : i32
      %dma_start3A_29 = arith.constant 0 : i32
      %dma_start3A_30 = tpu.memref_slice %arg8[%run_scoped3A_16, %dma_start3A_28, %dma_start3A_29] : memref<4x32x128xf32, #tpu.memory_space<vmem>> -> memref<1x32x128xf32, #tpu.memory_space<vmem>>
      %dma_start3A_31 = tpu.memref_squeeze %dma_start3A_30 : memref<1x32x128xf32, #tpu.memory_space<vmem>> -> memref<32x128xf32, #tpu.memory_space<vmem>>
      tpu.enqueue_dma source(%dma_start3A_31 : memref<32x128xf32, #tpu.memory_space<vmem>>) target(%dma_start3A_27 : memref<32x128xf32, #tpu.memory_space<hbm>>) target_semaphore(%run_scoped3A_18 : memref<!tpu.dma_semaphore, #tpu.memory_space<semaphore_mem>>)
      %dma_wait3A = arith.constant 0 : i32
      %dma_wait3A_32 = arith.constant 0 : i32
      %dma_wait3A_33 = tpu.memref_slice %arg8[%run_scoped3A_16, %dma_wait3A, %dma_wait3A_32] : memref<4x32x128xf32, #tpu.memory_space<vmem>> -> memref<1x32x128xf32, #tpu.memory_space<vmem>>
      %dma_wait3A_34 = tpu.memref_squeeze %dma_wait3A_33 : memref<1x32x128xf32, #tpu.memory_space<vmem>> -> memref<32x128xf32, #tpu.memory_space<vmem>>
      %dma_wait3A_35 = arith.constant 0 : i32
      %dma_wait3A_36 = tpu.memref_slice %arg5[%run_scoped3A_17, %dma_wait3A_35, %mul3A_2] : memref<4x32x4096xf32, #tpu.memory_space<hbm>> -> memref<1x32x128xf32, #tpu.memory_space<hbm>>
      %dma_wait3A_37 = tpu.memref_squeeze %dma_wait3A_36 : memref<1x32x128xf32, #tpu.memory_space<hbm>> -> memref<32x128xf32, #tpu.memory_space<hbm>>
      %dma_wait3A_38 = arith.constant 0 : i32
      %dma_wait3A_39 = tpu.memref_slice %arg5[%run_scoped3A_17, %dma_wait3A_38, %mul3A_2] : memref<4x32x4096xf32, #tpu.memory_space<hbm>> -> memref<1x32x128xf32, #tpu.memory_space<hbm>>
      %dma_wait3A_40 = tpu.memref_squeeze %dma_wait3A_39 : memref<1x32x128xf32, #tpu.memory_space<hbm>> -> memref<32x128xf32, #tpu.memory_space<hbm>>
      %dma_wait3A_41 = arith.constant 0 : i32
      %dma_wait3A_42 = arith.constant 0 : i32
      %dma_wait3A_43 = tpu.memref_slice %arg8[%run_scoped3A_16, %dma_wait3A_41, %dma_wait3A_42] : memref<4x32x128xf32, #tpu.memory_space<vmem>> -> memref<1x32x128xf32, #tpu.memory_space<vmem>>
      %dma_wait3A_44 = tpu.memref_squeeze %dma_wait3A_43 : memref<1x32x128xf32, #tpu.memory_space<vmem>> -> memref<32x128xf32, #tpu.memory_space<vmem>>
      tpu.wait_dma2 semaphore(%run_scoped3A_18 : memref<!tpu.dma_semaphore, #tpu.memory_space<semaphore_mem>>) src(%dma_wait3A_44 : memref<32x128xf32, #tpu.memory_space<vmem>>) dst(%dma_wait3A_40 : memref<32x128xf32, #tpu.memory_space<hbm>>)
      tpu.yield
    }) : () -> ()
    return
  }
}

</mosaic_0001>

<sc_bundles>
// kernel: kernel.3.cloned.1.call-start
scs
__scs_entry_jumppad:
0x0: {  	(pc) =	sbr.rel $0x88, $3  }
0x1: {  	(tag) =	ssettag $0x0;
	lr =	simm.s32 $0x1  }
0x2: {  	[smem:$0x3F9F] =	sst lr;
	_ =	strace $0xD0000000  }
0x3: {  	_ = 	snop  }
0x4: {  	_ = 	snop  }
0x5: {  	_ = 	snop  }
0x6: {  	_ = 	snop  }
0x7: {  	_ = 	snop  }
__scs_overlays_trampoline_lowered:
0x8: {  	[smem:$0x3FAE] =	sst s0  }
0x9: {  	[smem:$0x3FAF] =	sst s1  }
0xa: {  	[smem:$0x3FB0] =	sst s2  }
0xb: {  	[smem:$0x3FB1] =	sst s3  }
0xc: {  	[smem:$0x3FB2] =	sst s4  }
0xd: {  	[smem:$0x3FB3] =	sst s5  }
0xe: {  	[smem:$0x3FB4] =	sst s6  }
0xf: {  	[smem:$0x3FB5] =	sst s7  }
0x10: {  	[smem:$0x3FB6] =	sst s8  }
0x11: {  	[smem:$0x3FB7] =	sst s9;
	s0 =	simm.s32 @!p0 $0x0  }
0x12: {  	s1 =	sld [smem:$0x3F9D];
	s0 =	simm.s32 @p0 $0x1  }
0x13: {  	[smem:$0x3FB8] =	sst s0;
	s0 =	simm.s32 @!p1 $0x0  }
0x14: {  	s2 =	sld [smem:$0x3F9C];
	s0 =	simm.s32 @p1 $0x1  }
0x15: {  	[smem:$0x3FB9] =	sst s0;
	s0 =	simm.s32 @!p2 $0x0  }
0x16: {  	s3 =	sld [smem:$0x3FDB];
	s0 =	simm.s32 @p2 $0x1  }
0x17: {  	s4 =	simm.s32 $0x1BF5;
	[smem:$0x3FBB] =	sst s0  }
0x18: {  	s0 =	sld [smem:$0x3F9E];
	_ =	swait.ge [sflag:s4], $0x0  }
0x19: {  	s7 =	sld [smem:$0x3F9F]  }
0x1a: {  	s8 =	sadd.s32 $0xFFFFE003, lr  }
0x1b: {  	s9 =	sadd.s32 $0xFFFFFEF7, lr;
	s5 =	simm.s32 $0xFFFFFFFF;
	p2 =	slt.u32 s8, $0xFFFFF086  }
0x1c: {  	p1 =	slt.u32 s9, $0xF7A;
	s5 =	simm.s32 @!p2 $0x0  }
0x1d: {  	s5 =	simm.s32 @p1 $0x1;
	p0 =	seq.s32 s7, s2  }
0x1e: {  	s7 =	smul.u32 @!p0 $0xF7A, s2;
	p2 =	seq.s32 @!p0 s5, $0x0  }
0x1f: {  	s9 =	smul.u32 $0xF7A, s1;
	s8 =	simm.s32 @!p0 $0x1BF5;
	p2 =	por !p2, p0  }
0x20: {  	[sflag:s8] =	ssyncset.s32 @!p0 $0xFFFFF086;
	s6 =	sadd.s32 @!p0 s3, s7;
	s7 =	simm.s32 @!p0 $0x108  }
0x21: {  	s3 =	sadd.s32 s3, s9;
	s6 =	sadd.s32 @!p0 $0x88, s6;
	s7 =	simm.s32 @p2 $0x1082  }
0x22: {  	[simem:s7], [sflag:s8] =	dma.local @!p0 [hbm:s6], $0xF7A  }
0x23: {  	s9 =	sor.u32 $0xD0000000, s2;
	s6 =	simm.s32 $0x108;
	_ =	swait.ge @!p0 [sflag:s8], $0x0  }
0x24: {  	s3 =	sadd.s32 $0x88, s3;
	s6 =	simm.s32 @!p1 $0x1082;
	[sflag:s4] =	ssyncset.s32 $0xFFFFF086  }
0x25: {  	[simem:s6], [sflag:s4] =	dma.local [hbm:s3], $0xF7A  }
0x26: {  	[smem:$0x3F9F] =	sst s1;
	(tag) =	ssettag s2;
	_ =	strace s9  }
0x27: {  	s1 =	sld [smem:$0x3FAF]  }
0x28: {  	s2 =	sld [smem:$0x3FB0]  }
0x29: {  	s4 =	sld [smem:$0x3FB2]  }
0x2a: {  	p0 =	seq.s32 s5, $0x0;
	s5 =	sld [smem:$0x3FB3]  }
0x2b: {  	s6 =	sld [smem:$0x3FB4]  }
0x2c: {  	s7 =	sld [smem:$0x3FB5]  }
0x2d: {  	s3 =	simm.s32 $0x108;
	s8 =	sld [smem:$0x3FB6]  }
0x2e: {  	s3 =	simm.s32 @!p0 $0x1082;
	s9 =	sld [smem:$0x3FB7]  }
0x2f: {  	lr =	sadd.s32 s0, s3;
	s0 =	sld [smem:$0x3FAE]  }
0x30: {  	s3 =	sld [smem:$0x3FB1]  }
0x31: {  	[smem:$0x3FBA] =	sst s10  }
0x32: {  	s10 =	sld [smem:$0x3FB8];
	_ =	sdelay $0x3  }
0x33: {  	p0 =	seq.s32 s10, $0x1;
	s10 =	sld [smem:$0x3FBA];
	_ =	sdelay $0x3  }
0x34: {  	[smem:$0x3FBA] =	sst s10  }
0x35: {  	s10 =	sld [smem:$0x3FB9];
	_ =	sdelay $0x3  }
0x36: {  	p1 =	seq.s32 s10, $0x1;
	s10 =	sld [smem:$0x3FBA];
	_ =	sdelay $0x3  }
0x37: {  	[smem:$0x3FBA] =	sst s10  }
0x38: {  	s10 =	sld [smem:$0x3FBB]  }
0x39: {  	_ = 	snop;
	(pc) =	sbr.ind lr, $3  }
0x3a: {  	_ = 	snop  }
0x3b: {  	_ = 	snop  }
0x3c: {  	p2 =	seq.s32 s10, $0x1;
	s10 =	sld [smem:$0x3FBA]  }
0x3d: {  	_ =	shalt  }
0x3e: {  	_ =	shalt  }
0x3f: {  	_ =	shalt  }
0x40: {  	_ =	shalt  }
0x41: {  	_ =	shalt  }
0x42: {  	_ =	shalt  }
0x43: {  	_ =	shalt  }
0x44: {  	_ =	shalt  }
0x45: {  	_ =	shalt  }
0x46: {  	_ =	shalt  }
0x47: {  	_ =	shalt  }
0x48: {  	_ =	shalt  }
0x49: {  	_ =	shalt  }
0x4a: {  	_ =	shalt  }
0x4b: {  	_ =	shalt  }
0x4c: {  	_ =	shalt  }
0x4d: {  	_ =	shalt  }
0x4e: {  	_ =	shalt  }
0x4f: {  	_ =	shalt  }
0x50: {  	_ =	shalt  }
0x51: {  	_ =	shalt  }
0x52: {  	_ =	shalt  }
0x53: {  	_ =	shalt  }
0x54: {  	_ =	shalt  }
0x55: {  	_ =	shalt  }
0x56: {  	_ =	shalt  }
0x57: {  	_ =	shalt  }
0x58: {  	_ =	shalt  }
0x59: {  	_ =	shalt  }
0x5a: {  	_ =	shalt  }
0x5b: {  	_ =	shalt  }
0x5c: {  	_ =	shalt  }
0x5d: {  	_ =	shalt  }
0x5e: {  	_ =	shalt  }
0x5f: {  	_ =	shalt  }
0x60: {  	_ =	shalt  }
0x61: {  	_ =	shalt  }
0x62: {  	_ =	shalt  }
0x63: {  	_ =	shalt  }
0x64: {  	_ =	shalt  }
0x65: {  	_ =	shalt  }
0x66: {  	_ =	shalt  }
0x67: {  	_ =	shalt  }
0x68: {  	_ =	shalt  }
0x69: {  	_ =	shalt  }
0x6a: {  	_ =	shalt  }
0x6b: {  	_ =	shalt  }
0x6c: {  	_ =	shalt  }
0x6d: {  	_ =	shalt  }
0x6e: {  	_ =	shalt  }
0x6f: {  	_ =	shalt  }
0x70: {  	_ =	shalt  }
0x71: {  	_ =	shalt  }
0x72: {  	_ =	shalt  }
0x73: {  	_ =	shalt  }
0x74: {  	_ =	shalt  }
0x75: {  	_ =	shalt  }
0x76: {  	_ =	shalt  }
0x77: {  	_ =	shalt  }
0x78: {  	_ =	shalt  }
0x79: {  	_ =	shalt  }
0x7a: {  	_ =	shalt  }
0x7b: {  	_ =	shalt  }
0x7c: {  	_ =	shalt  }
0x7d: {  	_ =	shalt  }
0x7e: {  	_ =	shalt  }
0x7f: {  	_ =	shalt  }
0x80: {  	_ =	shalt  }
0x81: {  	_ =	shalt  }
0x82: {  	_ =	shalt  }
0x83: {  	_ =	shalt  }
0x84: {  	_ =	shalt  }
0x85: {  	_ =	shalt  }
0x86: {  	_ =	shalt  }
0x87: {  	_ =	shalt  }
.Lfunc_end0:
.L_simem_size_0:
called_computation_lowered:
.L_overlay_start_0:
0x88: {  	s2 =	sld [smem:$0x3FD9]  }
0x89: {  	s3 =	sld [smem:$0x3FFE];
	_ =	sdelay $0x1  }
0x8a: {  	s1 =	srdreg.scid  }
0x8b: {  	s0 =	sand.u32 $0x1, s1  }
0x8c: {  	s17 =	sshll.u32 s0, $0xA;
	s2 =	sadd.s32 s3, s2  }
0x8d: {  	s2 =	sadd.s32 s2, s17  }
0x8e: {  	[smem:$0x3FC6] =	sst s2  }
0x8f: {  	_ = 	snop  }
0x90: {  	s2 =	sld [smem:$0x3FC8]  }
0x91: {  	s18 =	sld [smem:$0x3FD0];
	(tm) =	ssettm $0x1  }
0x92: {  	s4 =	sld [smem:$0x3FFB];
	_ =	sdelay $0x3  }
0x93: {  	_ =	strace s4  }
0x94: {  	s4 =	sld [smem:$0x3FFC];
	_ =	sdelay $0x3  }
0x95: {  	_ =	strace s4  }
0x96: {  	s4 =	sld [smem:$0x3FFD];
	_ =	sdelay $0x3  }
0x97: {  	_ =	strace s4  }
0x98: {  	_ =	strace $0x8FFFFFFF  }
0x99: {  	s19 =	sld [smem:$0x3FDB];
	_ =	sdelay $0x1  }
0x9a: {  	s5 =	simm.s32 $_scs_section_size  }
0x9b: {  	s6 =	simm.s32 $_size__tile_overlayer_lowered;
	s7 =	simm.s32 $_tile_overlayer_lowered  }
0x9c: {  	s22 =	simm.s32 $0x1BFF;
	s21 =	sshll.u32 s7, $0x1;
	s4 =	sadd.s32 s5, s19  }
0x9d: {  	s8 =	simm.s32 $0x0;
	s20 =	sshll.u32 s6, $0x1;
	s6 =	sadd.s32 s21, s4  }
0x9e: {  	[timem:s8], [sflag:s22] =	dma.local [hbm:s6], s20  }
0x9f: {  	_ =	swait.ge [sflag:s22], s20  }
0xa0: {  	s5 =	ssub.s32 $0x0, s20;
	[sflag:s22] =	ssyncset.done $0x0  }
0xa1: {  	[sflag:s22] =	ssyncadd.s32 s5;
	_ =	sdelay $0x1  }
0xa2: {  	s23 =	simm.s32 $0x1B8B  }
0xa3: {  	_ =	swait.ge [sflag:s23], $0x1  }
0xa4: {  	[sflag:s23] =	ssyncset.done $0x0  }
0xa5: {  	s25 =	simm.s32 $0x1B8E;
	s24 =	sld [smem:$0x3FFE];
	[sflag:s23] =	ssyncadd.s32 $0xFFFFFFFF  }
0xa6: {  	s26 =	simm.s32 $execute0_lowered;
	[smem:$0x3FD2] =	sst s25  }
0xa7: {  	s6 =	sshll.u32 s26, $0x1;
	_ =	strace $0x80000046;
	[dreg:$0x1] =	wrdreg $0xFFFFFFFF  }
0xa8: {  	s28 =	simm.s32 $_size_execute0_lowered;
	s4 =	sadd.s32 s4, s6;
	[dreg:$0x0] =	wrdreg $0x0  }
0xa9: {  	s6 =	sshll.u32 s28, $0x1;
	[dreg:$0x2] =	wrdreg s4  }
0xaa: {  	[dreg:$0x3] =	wrdreg s6  }
0xab: {  	[dreg:$0x4] =	wrdreg $0xC0  }
0xac: {  	_ =	task [dreg:s8], $0x5FFFF  }
0xad: {  	[dreg:$0x1] =	wrdreg $0xFFFFFFFF  }
0xae: {  	[dreg:$0x0] =	wrdreg $0x60  }
0xaf: {  	[dreg:$0x2] =	wrdreg s24  }
0xb0: {  	[dreg:$0x3] =	wrdreg s2  }
0xb1: {  	[dreg:$0x4] =	wrdreg s18  }
0xb2: {  	[dreg:$0x5] =	wrdreg $0x9  }
0xb3: {  	_ =	task.clear_ibuf [dreg:s8], $0x6FFFF;
	_ =	strace $0x90000046  }
0xb4: {  	s29 =	simm.s32 $0x9;
	_ =	strace $0x80000048  }
0xb5: {  	_ =	swait.ge [sflag:s29], $0x1  }
0xb6: {  	[sflag:s29] =	ssyncadd.s32 $0xFFFFFFFF  }
0xb7: {  	_ =	strace $0x90000048  }
0xb8: {  	_ =	sfence  }
0xb9: {  	s30 =	sld [smem:$0x0];
	_ =	sdelay $0x2  }
0xba: {  	s31 =	sshll.u32 s1, $0xD;
	s1 =	sshrl.u32 s1, $0x2  }
0xbb: {  	s3 =	sand.u32 $0x4000, s31;
	s1 =	sadd.s32 s1, s30  }
0xbc: {  	s0 =	sor.u32 s3, s0;
	s1 =	sshll.u32 s1, $0x11  }
0xbd: {  	s0 =	sor.u32 s1, s0  }
0xbe: {  	s0 =	sadd.s32 $0x8F2B, s0  }
0xbf: {  	[sflag:s0] =	ssyncadd.remote.s32 $0x1  }
0xc0: {  	_ =	sfence.sel $0xFFFF  }
0xc1: {  	[dreg:$0x0] =	wrdreg $0xFFFFFFFF;
	(pc) =	sbr.abs _section_cstart, $3  }
0xc2: {  	[dreg:$0x1] =	wrdreg $0xFFFFFFFF  }
0xc3: {  	_ =	task.clear_ibuf [dreg:s8], $0x2FFFF;
	_ =	strace $0x9FFFFFFF  }
0xc4: {  	(tm) =	ssettm $0x7FFFFFFF  }
0xc5: {  	_ =	shalt  }
tec
execute0_lowered:
.L_overlay_start_1:
0x0: {  	(tag) =	ssettag $0x1  }
0x1: {  	s5 =	rddreg [dreg:$0x0]  }
0x2: {  	s0 =	rddreg [dreg:$0x1]  }
0x3: {  	s6 =	rddreg [dreg:$0x2];
	s3 =	srdreg.scid;
	s2 =	simm.s32 $0x0  }
0x4: {  	s1 =	stileid.u32;
	s28 =	simm.s32 $0x5000;
	s29 =	simm.s32 $0x6000  }
0x5: {  	s9 =	simm.s32 $0x7000;
	s11 =	simm.s32 $0x9000;
	s30 =	simm.s32 $0xA000  }
0x6: {  	s12 =	simm.s32 $0xB000;
	s13 =	simm.s32 $0xC000;
	[dreg:$0x4] =	wrdreg s0  }
0x7: {  	s14 =	simm.s32 $0xD000;
	s15 =	simm.s32 $0xE000;
	[smem:$0x7FF] =	sst s2  }
0x8: {  	s16 =	simm.s32 $0xF000;
	_ =	strace $0x80000047;
	[dreg:$0x5] =	wrdreg s28  }
0x9: {  	v0 =	vlaneseq.u32;
	s17 =	simm.s32 $0x10000;
	s31 =	simm.s32 $0x11000;
	[dreg:$0x6] =	wrdreg s29  }
0xa: {  	s18 =	simm.s32 $0x13000;
	s19 =	simm.s32 $0x1;
	v0 =	vmul.u32 $0x1000, v0;
	[dreg:$0x7] =	wrdreg s9  }
0xb: {  	s20 =	simm.s32 $0x14000;
	s21 =	simm.s32 $0x15000;
	[dreg:$0x8] =	wrdreg s11  }
0xc: {  	s22 =	simm.s32 $0x16000;
	s23 =	simm.s32 $0x17000;
	[dreg:$0x9] =	wrdreg s30;
	v1 =	vor.u32 $0x800, v0  }
0xd: {  	s24 =	simm.s32 $0x0;
	s4 =	sand.u32 $0x1, s3;
	[dreg:$0xa] =	wrdreg s12;
	v2 =	vor.u32 $0x80, v0;
	v3 =	vor.u32 $0x880, v0;
	v4 =	vor.u32 $0x100, v0  }
0xe: {  	s25 =	sshll.u32 s1, $0x8;
	s7 =	sshll.u32 s4, $0x7;
	[dreg:$0xb] =	wrdreg s13;
	v5 =	vor.u32 $0x900, v0;
	v6 =	vor.u32 $0x180, v0;
	v7 =	vor.u32 $0x980, v0  }
0xf: {  	s26 =	ssub.s32 $0x2, s4;
	s4 =	sadd.s32 $0x600, s5;
	[dreg:$0xc] =	wrdreg s14;
	v8 =	vor.u32 $0x200, v0;
	v9 =	vor.u32 $0xA00, v0;
	v10 =	vor.u32 $0x280, v0  }
0x10: {  	s11 =	simm.s32 $0x2;
	s12 =	simm.s32 $0x400;
	[dreg:$0xd] =	wrdreg s15;
	v11 =	vor.u32 $0xA80, v0;
	v12 =	vor.u32 $0x300, v0;
	v13 =	vor.u32 $0xB00, v0  }
0x11: {  	s13 =	simm.s32 $0x8000;
	s14 =	simm.s32 $0x18000;
	[dreg:$0xe] =	wrdreg s16;
	v14 =	vor.u32 $0x380, v0;
	v15 =	vor.u32 $0xB80, v0;
	v16 =	vor.u32 $0x400, v0  }
0x12: {  	s15 =	simm.s32 $0x7A1400;
	s16 =	simm.s32 $0x4000;
	[dreg:$0xf] =	wrdreg s17;
	v17 =	vor.u32 $0xC00, v0;
	v18 =	vor.u32 $0x480, v0;
	v19 =	vor.u32 $0xC80, v0  }
0x13: {  	[dreg:$0x10] =	wrdreg s31;
	s17 =	simm.s32 $0x12000;
	s3 =	sor.u32 s7, s25;
	v20 =	vor.u32 $0x500, v0;
	v21 =	vor.u32 $0xD00, v0;
	v22 =	vor.u32 $0x580, v0  }
0x14: {  	s8 =	sshrl.u32 s26, $0x1;
	v23 =	vor.u32 $0xD80, v0;
	v24 =	vor.u32 $0x600, v0;
	v25 =	vor.u32 $0xE00, v0;
	s5 =	sadd.s32 s3, s5;
	s6 =	sadd.s32 s6, s3  }
0x15: {  	v26 =	vor.u32 $0x680, v0;
	v27 =	vor.u32 $0xE80, v0;
	v28 =	vor.u32 $0x700, v0;
	s10 =	ssub.s32 s26, s8;
	s5 =	sadd.s32 $0xE00, s5;
	s7 =	sadd.s32 $0x4000, s6  }
0x16: {  	v29 =	vor.u32 $0xF00, v0;
	v30 =	vor.u32 $0x780, v0;
	v31 =	vor.u32 $0xF80, v0;
	s8 =	sadd.s32 $0x8000, s6;
	s9 =	sadd.s32 $0xC000, s6;
	s10 =	smax.u32 s10, $0x1  }
.LBB2_1:
0x17: {  	[tilespmem:s2], [sflag:$0x2] =	stream.linear.gather [hbm4b:s4+s2], $0x4000, $0x38;
	[tilespmem:$0x19000] =	vst v63  }
0x18: {  	_ =	swait.ge [sflag:s11], $0x4000  }
0x19: {  	[sflag:s11] =	ssyncset.done $0x0  }
0x1a: {  	[sflag:s11] =	ssyncadd.s32 $0xFFFFC000  }
0x1b: {  	[tilespmem:s14], [sflag:$0x2] =	stream.strided.gather [hbm4b:s5+s12], $0x1000, s13, s12, $0x38;
	[tilespmem:$0x19000] =	vst v63  }
0x1c: {  	_ =	swait.ge [sflag:s11], $0x1000  }
0x1d: {  	[sflag:s11] =	ssyncset.done $0x0  }
0x1e: {  	s25 =	simm.s32 $0x0;
	s26 =	simm.s32 $0x0;
	[sflag:s11] =	ssyncadd.s32 $0xFFFFF000  }
.LBB2_2:
0x1f: {  	s28 =	sshrl.u32 s26, $0x2  }
0x20: {  	s29 =	sand.u32 $0x1FFFF000, s28  }
0x21: {  	s28 =	sand.u32 $0x70, s25;
	s30 =	sor.u32 s29, s3  }
0x22: {  	s30 =	sadd.s32 s28, s30  }
0x23: {  	v32 =	vld [tilespmem:s30+$0x0];
	_ =	sdelay $0x4  }
0x24: {  	s31 =	rddreg [dreg:$0x4];
	v33 =	vand.u32 $0xFFFFFF80, v32  }
0x25: {  	v33 =	vadd.s32 s31, v33  }
0x26: {  	(v2sf) =	vpush v33, $0x0;
	_ =	sdelay $0x1  }
0x27: {  	(v2sf) =	vpush v33, $0x1;
	_ =	sdelay $0x1  }
0x28: {  	(v2sf) =	vpush v33, $0x2;
	_ =	sdelay $0x1  }
0x29: {  	(v2sf) =	vpush v33, $0x3;
	_ =	sdelay $0x1  }
0x2a: {  	(v2sf) =	vpush v33, $0x4;
	_ =	sdelay $0x1  }
0x2b: {  	(v2sf) =	vpush v33, $0x5;
	_ =	sdelay $0x1  }
0x2c: {  	(v2sf) =	vpush v33, $0x6;
	_ =	sdelay $0x1  }
0x2d: {  	(v2sf) =	vpush v33, $0x7  }
0x2e: {  	s0 =	spop (v2sf)  }
0x2f: {  	(v2sf) =	vpush v33, $0x8;
	[tilespmem:s16], [sflag:$0x1] =	stream.strided.gather [hbm4b:s0+s12], $0x1000, s15, s12, $0x38;
	[tilespmem:$0x19000] =	vst v63  }
0x30: {  	s31 =	rddreg [dreg:$0x5];
	s30 =	spop (v2sf)  }
0x31: {  	(v2sf) =	vpush v33, $0x9;
	[tilespmem:s31], [sflag:$0x1] =	stream.strided.gather [hbm4b:s30+s12], $0x1000, s15, s12, $0x38;
	[tilespmem:$0x19000] =	vst v63  }
0x32: {  	s0 =	rddreg [dreg:$0x6];
	s30 =	spop (v2sf)  }
0x33: {  	(v2sf) =	vpush v33, $0xA;
	[tilespmem:s0], [sflag:$0x1] =	stream.strided.gather [hbm4b:s30+s12], $0x1000, s15, s12, $0x38;
	[tilespmem:$0x19000] =	vst v63  }
0x34: {  	s31 =	rddreg [dreg:$0x7];
	s30 =	spop (v2sf)  }
0x35: {  	(v2sf) =	vpush v33, $0xB;
	[tilespmem:s31], [sflag:$0x1] =	stream.strided.gather [hbm4b:s30+s12], $0x1000, s15, s12, $0x38;
	[tilespmem:$0x19000] =	vst v63  }
0x36: {  	s31 =	spop (v2sf)  }
0x37: {  	(v2sf) =	vpush v33, $0xC;
	[tilespmem:s13], [sflag:$0x1] =	stream.strided.gather [hbm4b:s31+s12], $0x1000, s15, s12, $0x38;
	[tilespmem:$0x19000] =	vst v63  }
0x38: {  	s30 =	rddreg [dreg:$0x8];
	s0 =	spop (v2sf)  }
0x39: {  	(v2sf) =	vpush v33, $0xD;
	[tilespmem:s30], [sflag:$0x1] =	stream.strided.gather [hbm4b:s0+s12], $0x1000, s15, s12, $0x38;
	[tilespmem:$0x19000] =	vst v63  }
0x3a: {  	s31 =	rddreg [dreg:$0x9];
	s0 =	spop (v2sf)  }
0x3b: {  	(v2sf) =	vpush v33, $0xE;
	[tilespmem:s31], [sflag:$0x1] =	stream.strided.gather [hbm4b:s0+s12], $0x1000, s15, s12, $0x38;
	[tilespmem:$0x19000] =	vst v63  }
0x3c: {  	s30 =	rddreg [dreg:$0xa];
	s0 =	spop (v2sf)  }
0x3d: {  	(v2sf) =	vpush v33, $0xF;
	[tilespmem:s30], [sflag:$0x1] =	stream.strided.gather [hbm4b:s0+s12], $0x1000, s15, s12, $0x38;
	[tilespmem:$0x19000] =	vst v63  }
0x3e: {  	s31 =	rddreg [dreg:$0xb];
	s0 =	spop (v2sf)  }
0x3f: {  	[tilespmem:s31], [sflag:$0x1] =	stream.strided.gather [hbm4b:s0+s12], $0x1000, s15, s12, $0x38;
	[tilespmem:$0x19000] =	vst v63  }
0x40: {  	s30 =	rddreg [dreg:$0xc];
	s0 =	spop (v2sf)  }
0x41: {  	[tilespmem:s30], [sflag:$0x1] =	stream.strided.gather [hbm4b:s0+s12], $0x1000, s15, s12, $0x38;
	[tilespmem:$0x19000] =	vst v63  }
0x42: {  	s31 =	rddreg [dreg:$0xd];
	s0 =	spop (v2sf)  }
0x43: {  	[tilespmem:s31], [sflag:$0x1] =	stream.strided.gather [hbm4b:s0+s12], $0x1000, s15, s12, $0x38;
	[tilespmem:$0x19000] =	vst v63  }
0x44: {  	s30 =	rddreg [dreg:$0xe];
	s0 =	spop (v2sf)  }
0x45: {  	[tilespmem:s30], [sflag:$0x1] =	stream.strided.gather [hbm4b:s0+s12], $0x1000, s15, s12, $0x38;
	[tilespmem:$0x19000] =	vst v63  }
0x46: {  	s31 =	rddreg [dreg:$0xf];
	s0 =	spop (v2sf)  }
0x47: {  	[tilespmem:s31], [sflag:$0x1] =	stream.strided.gather [hbm4b:s0+s12], $0x1000, s15, s12, $0x38;
	[tilespmem:$0x19000] =	vst v63  }
0x48: {  	s30 =	rddreg [dreg:$0x10];
	s31 =	spop (v2sf)  }
0x49: {  	[tilespmem:s30], [sflag:$0x1] =	stream.strided.gather [hbm4b:s31+s12], $0x1000, s15, s12, $0x38;
	[tilespmem:$0x19000] =	vst v63  }
0x4a: {  	s31 =	spop (v2sf)  }
0x4b: {  	[tilespmem:s17], [sflag:$0x1] =	stream.strided.gather [hbm4b:s31+s12], $0x1000, s15, s12, $0x38;
	[tilespmem:$0x19000] =	vst v63  }
0x4c: {  	s30 =	spop (v2sf)  }
0x4d: {  	[tilespmem:s18], [sflag:$0x1] =	stream.strided.gather [hbm4b:s30+s12], $0x1000, s15, s12, $0x38;
	[tilespmem:$0x19000] =	vst v63  }
0x4e: {  	_ =	swait.ge [sflag:s19], $0x1000  }
0x4f: {  	[sflag:s19] =	ssyncset.done $0x0  }
0x50: {  	[sflag:s19] =	ssyncadd.s32 $0xFFFFF000  }
0x51: {  	_ =	swait.ge [sflag:s19], $0x1000  }
0x52: {  	[sflag:s19] =	ssyncset.done $0x0  }
0x53: {  	[sflag:s19] =	ssyncadd.s32 $0xFFFFF000  }
0x54: {  	_ =	swait.ge [sflag:s19], $0x1000  }
0x55: {  	[sflag:s19] =	ssyncset.done $0x0  }
0x56: {  	[sflag:s19] =	ssyncadd.s32 $0xFFFFF000  }
0x57: {  	_ =	swait.ge [sflag:s19], $0x1000  }
0x58: {  	[sflag:s19] =	ssyncset.done $0x0  }
0x59: {  	[sflag:s19] =	ssyncadd.s32 $0xFFFFF000  }
0x5a: {  	_ =	swait.ge [sflag:s19], $0x1000  }
0x5b: {  	[sflag:s19] =	ssyncset.done $0x0  }
0x5c: {  	[sflag:s19] =	ssyncadd.s32 $0xFFFFF000  }
0x5d: {  	_ =	swait.ge [sflag:s19], $0x1000  }
0x5e: {  	[sflag:s19] =	ssyncset.done $0x0  }
0x5f: {  	[sflag:s19] =	ssyncadd.s32 $0xFFFFF000  }
0x60: {  	_ =	swait.ge [sflag:s19], $0x1000  }
0x61: {  	[sflag:s19] =	ssyncset.done $0x0  }
0x62: {  	[sflag:s19] =	ssyncadd.s32 $0xFFFFF000  }
0x63: {  	_ =	swait.ge [sflag:s19], $0x1000  }
0x64: {  	[sflag:s19] =	ssyncset.done $0x0  }
0x65: {  	[sflag:s19] =	ssyncadd.s32 $0xFFFFF000  }
0x66: {  	_ =	swait.ge [sflag:s19], $0x1000  }
0x67: {  	[sflag:s19] =	ssyncset.done $0x0  }
0x68: {  	[sflag:s19] =	ssyncadd.s32 $0xFFFFF000  }
0x69: {  	_ =	swait.ge [sflag:s19], $0x1000  }
0x6a: {  	[sflag:s19] =	ssyncset.done $0x0  }
0x6b: {  	[sflag:s19] =	ssyncadd.s32 $0xFFFFF000  }
0x6c: {  	_ =	swait.ge [sflag:s19], $0x1000  }
0x6d: {  	[sflag:s19] =	ssyncset.done $0x0  }
0x6e: {  	[sflag:s19] =	ssyncadd.s32 $0xFFFFF000  }
0x6f: {  	_ =	swait.ge [sflag:s19], $0x1000  }
0x70: {  	[sflag:s19] =	ssyncset.done $0x0  }
0x71: {  	[sflag:s19] =	ssyncadd.s32 $0xFFFFF000  }
0x72: {  	_ =	swait.ge [sflag:s19], $0x1000  }
0x73: {  	[sflag:s19] =	ssyncset.done $0x0  }
0x74: {  	[sflag:s19] =	ssyncadd.s32 $0xFFFFF000  }
0x75: {  	_ =	swait.ge [sflag:s19], $0x1000  }
0x76: {  	[sflag:s19] =	ssyncset.done $0x0  }
0x77: {  	[sflag:s19] =	ssyncadd.s32 $0xFFFFF000  }
0x78: {  	v32 =	vand.u32 $0x7F, v32;
	_ =	swait.ge [sflag:s19], $0x1000  }
0x79: {  	v54 =	vor.u32 v0, v32;
	[sflag:s19] =	ssyncset.done $0x0  }
0x7a: {  	v34 =	vor.u32 v1, v32;
	[sflag:s19] =	ssyncadd.s32 $0xFFFFF000  }
0x7b: {  	_ =	swait.ge [sflag:s19], $0x1000  }
0x7c: {  	[sflag:s19] =	ssyncset.done $0x0  }
0x7d: {  	[sflag:s19] =	ssyncadd.s32 $0xFFFFF000  }
0x7e: {  	v33 =	vld.idx.msk [tilespmem:v54+s16+$0x0], $0xffff  }
0x7f: {  	v34 =	vld.idx.msk [tilespmem:v34+s16+$0x0], $0xffff  }
0x80: {  	v35 =	vld [tilespmem:s28+$0x18000]  }
0x81: {  	v36 =	vld [tilespmem:s28+$0x18800];
	_ =	sdelay $0x4  }
0x82: {  	v37 =	vmul.f32 v35, v33;
	v38 =	vmul.f32 v36, v34  }
0x83: {  	v55 =	vor.u32 v2, v32;
	v33 =	vmul.f32 v36, v33;
	v34 =	vmul.f32 v35, v34  }
0x84: {  	v57 =	vor.u32 v3, v32;
	v56 =	vsub.f32 v37, v38  }
0x85: {  	s31 =	sor.u32 s28, s29;
	v33 =	vadd.f32 v33, v34  }
0x86: {  	s29 =	sadd.s32 $0x14000, s31;
	[tilespmem:s31+$0x14000] =	vst v56  }
0x87: {  	[tilespmem:s29+$0x800] =	vst v33  }
0x88: {  	v33 =	vld.idx.msk [tilespmem:v55+s16+$0x0], $0xffff  }
0x89: {  	v58 =	vld.idx.msk [tilespmem:v57+s16+$0x0], $0xffff  }
0x8a: {  	v59 =	vld [tilespmem:s28+$0x18080]  }
0x8b: {  	v36 =	vld [tilespmem:s28+$0x18880];
	_ =	sdelay $0x4  }
0x8c: {  	v60 =	vmul.f32 v59, v33;
	v61 =	vmul.f32 v36, v58  }
0x8d: {  	v62 =	vor.u32 v4, v32;
	v33 =	vmul.f32 v36, v33;
	v34 =	vmul.f32 v59, v58  }
0x8e: {  	v40 =	vor.u32 v5, v32;
	v63 =	vsub.f32 v60, v61  }
0x8f: {  	v33 =	vadd.f32 v33, v34  }
0x90: {  	[tilespmem:s29+$0x80] =	vst v63  }
0x91: {  	[tilespmem:s29+$0x880] =	vst v33  }
0x92: {  	v33 =	vld.idx.msk [tilespmem:v62+s16+$0x0], $0xffff  }
0x93: {  	v41 =	vld.idx.msk [tilespmem:v40+s16+$0x0], $0xffff  }
0x94: {  	v42 =	vld [tilespmem:s28+$0x18100]  }
0x95: {  	v36 =	vld [tilespmem:s28+$0x18900];
	_ =	sdelay $0x4  }
0x96: {  	v43 =	vmul.f32 v42, v33;
	v44 =	vmul.f32 v36, v41  }
0x97: {  	v45 =	vor.u32 v6, v32;
	v33 =	vmul.f32 v36, v33;
	v34 =	vmul.f32 v42, v41  }
0x98: {  	v47 =	vor.u32 v7, v32;
	v46 =	vsub.f32 v43, v44  }
0x99: {  	v33 =	vadd.f32 v33, v34  }
0x9a: {  	[tilespmem:s29+$0x100] =	vst v46  }
0x9b: {  	[tilespmem:s29+$0x900] =	vst v33  }
0x9c: {  	v33 =	vld.idx.msk [tilespmem:v45+s16+$0x0], $0xffff  }
0x9d: {  	v48 =	vld.idx.msk [tilespmem:v47+s16+$0x0], $0xffff  }
0x9e: {  	v49 =	vld [tilespmem:s28+$0x18180]  }
0x9f: {  	v36 =	vld [tilespmem:s28+$0x18980];
	_ =	sdelay $0x4  }
0xa0: {  	v50 =	vmul.f32 v49, v33;
	v51 =	vmul.f32 v36, v48  }
0xa1: {  	v52 =	vor.u32 v8, v32;
	v33 =	vmul.f32 v36, v33;
	v34 =	vmul.f32 v49, v48  }
0xa2: {  	v54 =	vor.u32 v9, v32;
	v53 =	vsub.f32 v50, v51  }
0xa3: {  	v33 =	vadd.f32 v33, v34  }
0xa4: {  	[tilespmem:s29+$0x180] =	vst v53  }
0xa5: {  	[tilespmem:s29+$0x980] =	vst v33  }
0xa6: {  	v33 =	vld.idx.msk [tilespmem:v52+s16+$0x0], $0xffff  }
0xa7: {  	v55 =	vld.idx.msk [tilespmem:v54+s16+$0x0], $0xffff  }
0xa8: {  	v56 =	vld [tilespmem:s28+$0x18200]  }
0xa9: {  	v36 =	vld [tilespmem:s28+$0x18A00];
	_ =	sdelay $0x4  }
0xaa: {  	v57 =	vmul.f32 v56, v33;
	v58 =	vmul.f32 v36, v55  }
0xab: {  	v59 =	vor.u32 v10, v32;
	v33 =	vmul.f32 v36, v33;
	v34 =	vmul.f32 v56, v55  }
0xac: {  	v61 =	vor.u32 v11, v32;
	v60 =	vsub.f32 v57, v58  }
0xad: {  	v33 =	vadd.f32 v33, v34  }
0xae: {  	[tilespmem:s29+$0x200] =	vst v60  }
0xaf: {  	[tilespmem:s29+$0xA00] =	vst v33  }
0xb0: {  	v33 =	vld.idx.msk [tilespmem:v59+s16+$0x0], $0xffff  }
0xb1: {  	v62 =	vld.idx.msk [tilespmem:v61+s16+$0x0], $0xffff  }
0xb2: {  	v63 =	vld [tilespmem:s28+$0x18280]  }
0xb3: {  	v36 =	vld [tilespmem:s28+$0x18A80];
	_ =	sdelay $0x4  }
0xb4: {  	v40 =	vmul.f32 v63, v33;
	v41 =	vmul.f32 v36, v62  }
0xb5: {  	v42 =	vor.u32 v12, v32;
	v33 =	vmul.f32 v36, v33;
	v34 =	vmul.f32 v63, v62  }
0xb6: {  	v44 =	vor.u32 v13, v32;
	v43 =	vsub.f32 v40, v41  }
0xb7: {  	v33 =	vadd.f32 v33, v34  }
0xb8: {  	[tilespmem:s29+$0x280] =	vst v43  }
0xb9: {  	[tilespmem:s29+$0xA80] =	vst v33  }
0xba: {  	v33 =	vld.idx.msk [tilespmem:v42+s16+$0x0], $0xffff  }
0xbb: {  	v45 =	vld.idx.msk [tilespmem:v44+s16+$0x0], $0xffff  }
0xbc: {  	v46 =	vld [tilespmem:s28+$0x18300]  }
0xbd: {  	v36 =	vld [tilespmem:s28+$0x18B00];
	_ =	sdelay $0x4  }
0xbe: {  	v47 =	vmul.f32 v46, v33;
	v48 =	vmul.f32 v36, v45  }
0xbf: {  	v49 =	vor.u32 v14, v32;
	v33 =	vmul.f32 v36, v33;
	v34 =	vmul.f32 v46, v45  }
0xc0: {  	v51 =	vor.u32 v15, v32;
	v50 =	vsub.f32 v47, v48  }
0xc1: {  	v33 =	vadd.f32 v33, v34  }
0xc2: {  	[tilespmem:s29+$0x300] =	vst v50  }
0xc3: {  	[tilespmem:s29+$0xB00] =	vst v33  }
0xc4: {  	v33 =	vld.idx.msk [tilespmem:v49+s16+$0x0], $0xffff  }
0xc5: {  	v52 =	vld.idx.msk [tilespmem:v51+s16+$0x0], $0xffff  }
0xc6: {  	v53 =	vld [tilespmem:s28+$0x18380]  }
0xc7: {  	v36 =	vld [tilespmem:s28+$0x18B80];
	_ =	sdelay $0x4  }
0xc8: {  	v54 =	vmul.f32 v53, v33;
	v55 =	vmul.f32 v36, v52  }
0xc9: {  	v56 =	vor.u32 v16, v32;
	v33 =	vmul.f32 v36, v33;
	v34 =	vmul.f32 v53, v52  }
0xca: {  	v58 =	vor.u32 v17, v32;
	v57 =	vsub.f32 v54, v55  }
0xcb: {  	v33 =	vadd.f32 v33, v34  }
0xcc: {  	[tilespmem:s29+$0x380] =	vst v57  }
0xcd: {  	[tilespmem:s29+$0xB80] =	vst v33  }
0xce: {  	v33 =	vld.idx.msk [tilespmem:v56+s16+$0x0], $0xffff  }
0xcf: {  	v59 =	vld.idx.msk [tilespmem:v58+s16+$0x0], $0xffff  }
0xd0: {  	v60 =	vld [tilespmem:s28+$0x18400]  }
0xd1: {  	v36 =	vld [tilespmem:s28+$0x18C00];
	_ =	sdelay $0x4  }
0xd2: {  	v61 =	vmul.f32 v60, v33;
	v62 =	vmul.f32 v36, v59  }
0xd3: {  	v63 =	vor.u32 v18, v32;
	v33 =	vmul.f32 v36, v33;
	v34 =	vmul.f32 v60, v59  }
0xd4: {  	v41 =	vor.u32 v19, v32;
	v40 =	vsub.f32 v61, v62  }
0xd5: {  	v33 =	vadd.f32 v33, v34  }
0xd6: {  	[tilespmem:s29+$0x400] =	vst v40  }
0xd7: {  	[tilespmem:s29+$0xC00] =	vst v33  }
0xd8: {  	v33 =	vld.idx.msk [tilespmem:v63+s16+$0x0], $0xffff  }
0xd9: {  	v42 =	vld.idx.msk [tilespmem:v41+s16+$0x0], $0xffff  }
0xda: {  	v43 =	vld [tilespmem:s28+$0x18480]  }
0xdb: {  	v36 =	vld [tilespmem:s28+$0x18C80];
	_ =	sdelay $0x4  }
0xdc: {  	v44 =	vmul.f32 v43, v33;
	v45 =	vmul.f32 v36, v42  }
0xdd: {  	v46 =	vor.u32 v20, v32;
	v33 =	vmul.f32 v36, v33;
	v34 =	vmul.f32 v43, v42  }
0xde: {  	v48 =	vor.u32 v21, v32;
	v47 =	vsub.f32 v44, v45  }
0xdf: {  	v33 =	vadd.f32 v33, v34  }
0xe0: {  	[tilespmem:s29+$0x480] =	vst v47  }
0xe1: {  	[tilespmem:s29+$0xC80] =	vst v33  }
0xe2: {  	v33 =	vld.idx.msk [tilespmem:v46+s16+$0x0], $0xffff  }
0xe3: {  	v49 =	vld.idx.msk [tilespmem:v48+s16+$0x0], $0xffff  }
0xe4: {  	v50 =	vld [tilespmem:s28+$0x18500]  }
0xe5: {  	v36 =	vld [tilespmem:s28+$0x18D00];
	_ =	sdelay $0x4  }
0xe6: {  	v51 =	vmul.f32 v50, v33;
	v52 =	vmul.f32 v36, v49  }
0xe7: {  	v53 =	vor.u32 v22, v32;
	v33 =	vmul.f32 v36, v33;
	v34 =	vmul.f32 v50, v49  }
0xe8: {  	v55 =	vor.u32 v23, v32;
	v54 =	vsub.f32 v51, v52  }
0xe9: {  	v33 =	vadd.f32 v33, v34  }
0xea: {  	[tilespmem:s29+$0x500] =	vst v54  }
0xeb: {  	[tilespmem:s29+$0xD00] =	vst v33  }
0xec: {  	v33 =	vld.idx.msk [tilespmem:v53+s16+$0x0], $0xffff  }
0xed: {  	v56 =	vld.idx.msk [tilespmem:v55+s16+$0x0], $0xffff  }
0xee: {  	v57 =	vld [tilespmem:s28+$0x18580]  }
0xef: {  	v36 =	vld [tilespmem:s28+$0x18D80];
	_ =	sdelay $0x4  }
0xf0: {  	v58 =	vmul.f32 v57, v33;
	v59 =	vmul.f32 v36, v56  }
0xf1: {  	v60 =	vor.u32 v24, v32;
	v33 =	vmul.f32 v36, v33;
	v34 =	vmul.f32 v57, v56  }
0xf2: {  	v62 =	vor.u32 v25, v32;
	v61 =	vsub.f32 v58, v59  }
0xf3: {  	v33 =	vadd.f32 v33, v34  }
0xf4: {  	[tilespmem:s29+$0x580] =	vst v61  }
0xf5: {  	[tilespmem:s29+$0xD80] =	vst v33  }
0xf6: {  	v33 =	vld.idx.msk [tilespmem:v60+s16+$0x0], $0xffff  }
0xf7: {  	v63 =	vld.idx.msk [tilespmem:v62+s16+$0x0], $0xffff  }
0xf8: {  	v40 =	vld [tilespmem:s28+$0x18600]  }
0xf9: {  	v36 =	vld [tilespmem:s28+$0x18E00];
	_ =	sdelay $0x4  }
0xfa: {  	v41 =	vmul.f32 v40, v33;
	v42 =	vmul.f32 v36, v63  }
0xfb: {  	v43 =	vor.u32 v26, v32;
	v33 =	vmul.f32 v36, v33;
	v34 =	vmul.f32 v40, v63  }
0xfc: {  	v45 =	vor.u32 v27, v32;
	v44 =	vsub.f32 v41, v42  }
0xfd: {  	v33 =	vadd.f32 v33, v34  }
0xfe: {  	[tilespmem:s29+$0x600] =	vst v44  }
0xff: {  	[tilespmem:s29+$0xE00] =	vst v33  }
0x100: {  	v33 =	vld.idx.msk [tilespmem:v43+s16+$0x0], $0xffff  }
0x101: {  	v46 =	vld.idx.msk [tilespmem:v45+s16+$0x0], $0xffff  }
0x102: {  	v47 =	vld [tilespmem:s28+$0x18680]  }
0x103: {  	v36 =	vld [tilespmem:s28+$0x18E80];
	_ =	sdelay $0x4  }
0x104: {  	v48 =	vmul.f32 v47, v33;
	v49 =	vmul.f32 v36, v46  }
0x105: {  	v50 =	vor.u32 v28, v32;
	v33 =	vmul.f32 v36, v33;
	v34 =	vmul.f32 v47, v46  }
0x106: {  	v52 =	vor.u32 v29, v32;
	v51 =	vsub.f32 v48, v49  }
0x107: {  	v33 =	vadd.f32 v33, v34  }
0x108: {  	[tilespmem:s29+$0x680] =	vst v51  }
0x109: {  	[tilespmem:s29+$0xE80] =	vst v33  }
0x10a: {  	v33 =	vld.idx.msk [tilespmem:v50+s16+$0x0], $0xffff  }
0x10b: {  	v53 =	vld.idx.msk [tilespmem:v52+s16+$0x0], $0xffff  }
0x10c: {  	v54 =	vld [tilespmem:s28+$0x18700]  }
0x10d: {  	v36 =	vld [tilespmem:s28+$0x18F00];
	_ =	sdelay $0x4  }
0x10e: {  	v55 =	vmul.f32 v54, v33;
	v56 =	vmul.f32 v36, v53  }
0x10f: {  	v57 =	vor.u32 v30, v32;
	v33 =	vmul.f32 v36, v33;
	v34 =	vmul.f32 v54, v53  }
0x110: {  	v32 =	vor.u32 v31, v32;
	v58 =	vsub.f32 v55, v56  }
0x111: {  	v33 =	vadd.f32 v33, v34  }
0x112: {  	[tilespmem:s29+$0x700] =	vst v58  }
0x113: {  	[tilespmem:s29+$0xF00] =	vst v33  }
0x114: {  	v33 =	vld.idx.msk [tilespmem:v57+s16+$0x0], $0xffff  }
0x115: {  	v32 =	vld.idx.msk [tilespmem:v32+s16+$0x0], $0xffff  }
0x116: {  	v59 =	vld [tilespmem:s28+$0x18780]  }
0x117: {  	v60 =	vld [tilespmem:s28+$0x18F80];
	_ =	sdelay $0x4  }
0x118: {  	p0 =	sne.s32 s26, $0xF800;
	v61 =	vmul.f32 v59, v33;
	v62 =	vmul.f32 v60, v32  }
.Ltmp0:
0x119: {  	v33 =	vmul.f32 v60, v33;
	v32 =	vmul.f32 v59, v32;
	(pc) =	sbr.rel @p0 .LBB2_2-.Ltmp0, $4  }
0x11a: {  	v63 =	vsub.f32 v61, v62  }
0x11b: {  	v32 =	vadd.f32 v33, v32  }
0x11c: {  	[tilespmem:s29+$0x780] =	vst v63  }
0x11d: {  	s26 =	sadd.s32 $0x800, s26;
	s25 =	sadd.s32 $0x10, s25;
	[tilespmem:s29+$0xF80] =	vst v32  }
0x11e: {  	[hbm4b:s6+s12] =	stream.strided.scatter [tilespmem:s20], [sflag:$0x2], $0x1000, s13, s12, $0x38;
	[tilespmem:$0x19000] =	vst v63  }
0x11f: {  	_ =	swait.ge [sflag:s11], $0x1000  }
0x120: {  	[sflag:s11] =	ssyncset.done $0x0  }
0x121: {  	[sflag:s11] =	ssyncadd.s32 $0xFFFFF000  }
0x122: {  	[hbm4b:s7+s12] =	stream.strided.scatter [tilespmem:s21], [sflag:$0x2], $0x1000, s13, s12, $0x38;
	[tilespmem:$0x19000] =	vst v63  }
0x123: {  	_ =	swait.ge [sflag:s11], $0x1000  }
0x124: {  	[sflag:s11] =	ssyncset.done $0x0  }
0x125: {  	[sflag:s11] =	ssyncadd.s32 $0xFFFFF000  }
0x126: {  	[hbm4b:s8+s12] =	stream.strided.scatter [tilespmem:s22], [sflag:$0x2], $0x1000, s13, s12, $0x38;
	[tilespmem:$0x19000] =	vst v63  }
0x127: {  	s24 =	sadd.s32 $0x1, s24;
	_ =	swait.ge [sflag:s11], $0x1000  }
0x128: {  	p0 =	sne.s32 s24, s10;
	[sflag:s11] =	ssyncset.done $0x0  }
.Ltmp1:
0x129: {  	[sflag:s11] =	ssyncadd.s32 $0xFFFFF000;
	(pc) =	sbr.rel @p0 .LBB2_1-.Ltmp1, $4  }
0x12a: {  	[hbm4b:s9+s12] =	stream.strided.scatter [tilespmem:s23], [sflag:$0x2], $0x1000, s13, s12, $0x38;
	[tilespmem:$0x19000] =	vst v63  }
0x12b: {  	_ =	swait.ge [sflag:s11], $0x1000  }
0x12c: {  	[sflag:s11] =	ssyncset.done $0x0  }
0x12d: {  	[sflag:s11] =	ssyncadd.s32 $0xFFFFF000  }
0x12e: {  	_ =	sfence.sel $0x180000  }
0x12f: {  	[bflag:$0x0] =	sbarrier.arrive $0xFFFF  }
0x130: {  	_ =	strace $0x90000047  }
0x131: {  	[bflag:$0x2] =	sbarrier.arrive $0xFFFF  }
0x132: {  	p0 =	sne.s32 s1, $0x0;
	s0 =	rddreg [dreg:$0x3]  }
0x133: {  	s0 =	sadd.s32 @!p0 $0x100000, s0  }
0x134: {  	[sflag:s0] =	ssyncadd.tile.s32 @!p0 $0x1;
	_ =	shalt  }
.Lfunc_end2:
_tile_overlayer_lowered:
.L_overlay_start_2:
0x135: {  	(tag) =	ssettag $0x2  }
0x136: {  	s0 =	rddreg [dreg:$0x0];
	s2 =	stileid.u32  }
0x137: {  	s1 =	rddreg [dreg:$0x1];
	p0 =	sne.s32 s2, $0x0  }
0x138: {  	s3 =	rddreg [dreg:$0x2];
	[bflag:$0x3] =	sbarrier.arrive $0xFFFF;
	s2 =	simm.s32 @!p0 $0x1C02  }
0x139: {  	[timem:s3], [sflag:s2] =	dma.local @!p0 [hbm:s0], s1  }
0x13a: {  	s0 =	simm.s32 @!p0 $0x2  }
0x13b: {  	_ =	swait.ge @!p0 [sflag:s0], s1  }
0x13c: {  	s1 =	ssub.s32 @!p0 $0x0, s1;
	[sflag:s0] =	ssyncset.done @!p0 $0x0  }
0x13d: {  	[sflag:s0] =	ssyncadd.s32 @!p0 s1  }
0x13e: {  	[bflag:$0x3] =	sbarrier.arrive $0xFFFF  }
0x13f: {  	_ =	shalt  }

</sc_bundles>
